<compile_context>
chip_gen: v7x
topology: tpu7x:2x2x1
jax: 0.10.2.dev20260603
libtpu: 0.0.44.dev20260713+nightly
codegen_flags: <defaults>
</compile_context>

<pallas_src>
import functools

import jax
import jax.numpy as jnp
from jax import lax
from jax.experimental import pallas as pl
from jax.experimental.pallas import tpu as pltpu
from jax.experimental.pallas import tpu_sc as plsc

NC = 2
NS = 16
CH = 128


def _edge_pass_builder(N_pad, D, NCHUNK):
    mesh = plsc.VectorSubcoreMesh(core_axis_name="c", subcore_axis_name="s")
    f32 = jnp.float32

    @functools.partial(
        pl.kernel,
        out_type=[
            jax.ShapeDtypeStruct((N_pad, D), f32),
            jax.ShapeDtypeStruct((N_pad, D), f32),
        ],
        mesh=mesh,
        scratch_types=[
            pltpu.VMEM((NCHUNK, CH), jnp.int32),
            pltpu.VMEM((NCHUNK, CH), jnp.int32),
            pltpu.VMEM((CH, D), f32),
            pltpu.VMEM_SHARED((N_pad, D), f32),
            pltpu.SemaphoreType.DMA,
        ],
    )
    def edge_pass(h_hbm, src_hbm, dst_hbm, zero_hbm,
                  out0_hbm, out1_hbm, src_v, dst_v, rows_v, agg_sh, sem):
        c = lax.axis_index("c")
        s = lax.axis_index("s")

        @pl.when(s == 0)
        def _():
            pltpu.sync_copy(zero_hbm, agg_sh)

        plsc.subcore_barrier()

        wid = c * NS + s
        pltpu.sync_copy(src_hbm.at[wid], src_v)
        pltpu.sync_copy(dst_hbm.at[wid], dst_v)

        def body(j, carry):
            pltpu.async_copy(h_hbm.at[src_v.at[j]], rows_v, sem).wait()
            pltpu.sync_copy(rows_v, agg_sh.at[dst_v.at[j]], add=True)
            return carry

        lax.fori_loop(0, NCHUNK, body, 0)

        plsc.subcore_barrier()

        @pl.when((s == 0) & (c == 0))
        def _():
            pltpu.sync_copy(agg_sh, out0_hbm)

        @pl.when((s == 0) & (c == 1))
        def _():
            pltpu.sync_copy(agg_sh, out1_hbm)

    return edge_pass


def _deg_builder(N_pad, W, NCHUNK):
    mesh = plsc.VectorSubcoreMesh(core_axis_name="c", subcore_axis_name="s")
    f32 = jnp.float32

    @functools.partial(
        pl.kernel,
        out_type=[
            jax.ShapeDtypeStruct((N_pad, W), f32),
            jax.ShapeDtypeStruct((N_pad, W), f32),
        ],
        mesh=mesh,
        scratch_types=[
            pltpu.VMEM((NCHUNK, CH), jnp.int32),
            pltpu.VMEM((CH, W), f32),
            pltpu.VMEM_SHARED((N_pad, W), f32),
        ],
    )
    def deg_pass(dst_hbm, ones_hbm, zero_hbm, out0_hbm, out1_hbm,
                 dst_v, ones_v, deg_sh):
        c = lax.axis_index("c")
        s = lax.axis_index("s")
        wid = c * NS + s

        @pl.when(s == 0)
        def _():
            pltpu.sync_copy(zero_hbm, deg_sh)

        plsc.subcore_barrier()

        pltpu.sync_copy(dst_hbm.at[wid], dst_v)
        pltpu.sync_copy(ones_hbm, ones_v)

        def body(j, carry):
            pltpu.sync_copy(ones_v, deg_sh.at[dst_v.at[j]], add=True)
            return carry

        lax.fori_loop(0, NCHUNK, body, 0)

        plsc.subcore_barrier()

        @pl.when((s == 0) & (c == 0))
        def _():
            pltpu.sync_copy(deg_sh, out0_hbm)

        @pl.when((s == 0) & (c == 1))
        def _():
            pltpu.sync_copy(deg_sh, out1_hbm)

    return deg_pass


def kernel(x, W_enc, b_enc, W_layers, b_layers, gammas, betas, W_out, b_out,
           edge_index):
    N, D = x.shape
    L = W_layers.shape[0]
    E = edge_index.shape[1]
    NW = NC * NS
    f32 = jnp.float32

    NCHUNK = -(-E // (NW * CH))
    E_pad = NW * NCHUNK * CH
    N_pad = N + 16

    src = edge_index[0]
    dst = edge_index[1]
    pad = E_pad - E
    src_p = jnp.concatenate([src, jnp.zeros((pad,), jnp.int32)])
    dst_p = jnp.concatenate([dst, jnp.full((pad,), N, jnp.int32)])
    src3 = src_p.reshape(NW, NCHUNK, CH)
    dst3 = dst_p.reshape(NW, NCHUNK, CH)

    zeroND = jnp.zeros((N_pad, D), f32)
    onesW = jnp.ones((CH, D), f32)

    edge_pass = _edge_pass_builder(N_pad, D, NCHUNK)
    deg_pass = _deg_builder(N_pad, D, NCHUNK)

    RB = 2000 if N % 2000 == 0 else (1000 if N % 1000 == 0 else 8)
    G = N // RB

    def _enc_body(x_ref, w_ref, b_ref, o_ref):
        o_ref[...] = jnp.dot(x_ref[...], w_ref[...],
                             preferred_element_type=f32) + b_ref[...]

    h = pl.pallas_call(
        _enc_body,
        grid=(G,),
        in_specs=[
            pl.BlockSpec((RB, D), lambda i: (i, 0)),
            pl.BlockSpec((D, D), lambda i: (0, 0)),
            pl.BlockSpec((1, D), lambda i: (0, 0)),
        ],
        out_specs=pl.BlockSpec((RB, D), lambda i: (i, 0)),
        out_shape=jax.ShapeDtypeStruct((N, D), f32),
    )(x, W_enc, b_enc[None])

    deg0, deg1 = deg_pass(dst3, onesW, zeroND)

    def _mm_body(p0_ref, p1_ref, d0_ref, d1_ref, w_ref, b_ref,
                 pre_ref, st_ref):
        i = pl.program_id(0)
        deg = jnp.maximum(d0_ref[...][:, :1] + d1_ref[...][:, :1], 1.0)
        agg = (p0_ref[...] + p1_ref[...]) / deg
        pre = jnp.dot(agg, w_ref[...], preferred_element_type=f32) + b_ref[...]
        pre_ref[...] = pre
        s1 = jnp.sum(pre, axis=0, keepdims=True)
        s2 = jnp.sum(pre * pre, axis=0, keepdims=True)
        upd = jnp.concatenate([s1, s2, jnp.zeros((6, pre.shape[1]), f32)],
                              axis=0)
        st_ref[...] = jnp.where(i == 0, upd, st_ref[...] + upd)

    def _bn_body(h_ref, pre_ref, st_ref, g_ref, bt_ref, o_ref):
        mu = st_ref[0:1, :] / float(N)
        ex2 = st_ref[1:2, :] / float(N)
        var = ex2 - mu * mu
        xn = (pre_ref[...] - mu) * lax.rsqrt(var + 1e-5) * g_ref[...] \
            + bt_ref[...]
        o_ref[...] = h_ref[...] + jnp.maximum(xn, 0.0)

    for l in range(L):
        part0, part1 = edge_pass(h, src3, dst3, zeroND)
        pre, stats = pl.pallas_call(
            _mm_body,
            grid=(G,),
            in_specs=[
                pl.BlockSpec((RB, D), lambda i: (i, 0)),
                pl.BlockSpec((RB, D), lambda i: (i, 0)),
                pl.BlockSpec((RB, D), lambda i: (i, 0)),
                pl.BlockSpec((RB, D), lambda i: (i, 0)),
                pl.BlockSpec((D, D), lambda i: (0, 0)),
                pl.BlockSpec((1, D), lambda i: (0, 0)),
            ],
            out_specs=[
                pl.BlockSpec((RB, D), lambda i: (i, 0)),
                pl.BlockSpec((8, D), lambda i: (0, 0)),
            ],
            out_shape=[
                jax.ShapeDtypeStruct((N, D), f32),
                jax.ShapeDtypeStruct((8, D), f32),
            ],
        )(part0, part1, deg0, deg1, W_layers[l], b_layers[l][None])

        h = pl.pallas_call(
            _bn_body,
            grid=(G,),
            in_specs=[
                pl.BlockSpec((RB, D), lambda i: (i, 0)),
                pl.BlockSpec((RB, D), lambda i: (i, 0)),
                pl.BlockSpec((8, D), lambda i: (0, 0)),
                pl.BlockSpec((1, D), lambda i: (0, 0)),
                pl.BlockSpec((1, D), lambda i: (0, 0)),
            ],
            out_specs=pl.BlockSpec((RB, D), lambda i: (i, 0)),
            out_shape=jax.ShapeDtypeStruct((N, D), f32),
        )(h, pre, stats, gammas[l][None], betas[l][None])

    NCL = b_out.shape[0]
    W_out_p = jnp.pad(W_out, ((0, 0), (0, D - NCL)))
    b_out_p = jnp.pad(b_out, (0, D - NCL))[None]

    def _out_body(h_ref, w_ref, b_ref, o_ref, acc_ref):
        i = pl.program_id(0)
        s = jnp.sum(h_ref[...], axis=0, keepdims=True)
        acc_ref[...] = jnp.where(i == 0, s, acc_ref[...] + s)

        @pl.when(i == pl.num_programs(0) - 1)
        def _():
            hg = acc_ref[...] / float(N)
            o_ref[...] = jnp.dot(hg, w_ref[...],
                                 preferred_element_type=f32) + b_ref[...]

    out = pl.pallas_call(
        _out_body,
        grid=(G,),
        in_specs=[
            pl.BlockSpec((RB, D), lambda i: (i, 0)),
            pl.BlockSpec((D, D), lambda i: (0, 0)),
            pl.BlockSpec((1, D), lambda i: (0, 0)),
        ],
        out_specs=pl.BlockSpec((1, D), lambda i: (0, 0)),
        out_shape=jax.ShapeDtypeStruct((1, D), f32),
        scratch_shapes=[pltpu.VMEM((1, D), f32)],
    )(h, W_out_p, b_out_p)

    return out[0, :NCL]

# --- scband reference (transcript-rebuilt; emitter-appended) ---
"""Pipeline reference for scband-gcnnet-63050119905584 (READ-ONLY COPY).

The authoritative reference and input builder live on the scoring server;
editing this copy changes nothing except your own understanding.
"""

import jax, jax.numpy as jnp
import numpy as np

N = 10000
E = 320000
D = 128
L = 4
N_CLASSES = 10


def setup_inputs(seed: int = 0) -> dict:
    key = jax.random.key(seed)
    ks = jax.random.split(key, 16)
    x = jax.random.normal(ks[0], (N, D), dtype=jnp.float32)
    edge_index = jax.random.randint(ks[1], (2, E), 0, N, dtype=jnp.int32)
    W_enc = jax.random.normal(ks[2], (D, D), dtype=jnp.float32) * (1.0 / np.sqrt(D))
    b_enc = jnp.zeros((D,), dtype=jnp.float32)
    W_layers = jax.random.normal(ks[3], (L, D, D), dtype=jnp.float32) * (1.0 / np.sqrt(D))
    b_layers = jnp.zeros((L, D), dtype=jnp.float32)
    gammas = jnp.ones((L, D), dtype=jnp.float32)
    betas = jnp.zeros((L, D), dtype=jnp.float32)
    W_out = jax.random.normal(ks[4], (D, N_CLASSES), dtype=jnp.float32) * (1.0 / np.sqrt(D))
    b_out = jnp.zeros((N_CLASSES,), dtype=jnp.float32)
    return {
        "x": x,
        "W_enc": W_enc,
        "b_enc": b_enc,
        "W_layers": W_layers,
        "b_layers": b_layers,
        "gammas": gammas,
        "betas": betas,
        "W_out": W_out,
        "b_out": b_out,
        "edge_index": edge_index,
    }


def reference(x, W_enc, b_enc, W_layers, b_layers, gammas, betas, W_out, b_out, edge_index):
    src = edge_index[0]
    dst = edge_index[1]
    # node encoder (LinearLayer)
    h = x @ W_enc + b_enc
    # degree for mean neighbor pooling
    deg = jax.ops.segment_sum(jnp.ones((E,), dtype=jnp.float32), dst, num_segments=N)
    deg = jnp.maximum(deg, 1.0)
    for l in range(L):
        # GCN message passing: gather from src, scatter-add to dst, mean-normalize
        msgs = jnp.take(h, src, axis=0)
        agg = jax.ops.segment_sum(msgs, dst, num_segments=N)
        agg = agg / deg[:, None]
        out = agg @ W_layers[l] + b_layers[l]
        # batch norm over nodes
        mu = out.mean(axis=0)
        var = out.var(axis=0)
        out = (out - mu) / jnp.sqrt(var + 1e-5) * gammas[l] + betas[l]
        out = jax.nn.relu(out)
        # residual
        h = h + out
    # graph pooling (mean over all nodes; single graph)
    hg = h.mean(axis=0)
    logits = hg @ W_out + b_out
    return logits

if __name__ == "__main__":
    import jax
    _d = setup_inputs()
    print(jax.jit(kernel)(*tuple(_d.values())))

</pallas_src>

<mosaic_0001>
#map = affine_map<(d0, d1) -> (0, 0)>
#map1 = affine_map<(d0, d1) -> (0, 0, 0)>
module attributes {stable_mosaic.version = 14 : i64} {
  func.func @edge_pass(%arg0: i32, %arg1: i32, %arg2: memref<10000x128xf32, #tpu.memory_space<hbm>>, %arg3: memref<32x79x128xi32, #tpu.memory_space<hbm>>, %arg4: memref<32x79x128xi32, #tpu.memory_space<hbm>>, %arg5: memref<10016x128xf32, #tpu.memory_space<hbm>>, %arg6: memref<10016x128xf32, #tpu.memory_space<hbm>>, %arg7: memref<10016x128xf32, #tpu.memory_space<hbm>>, %arg8: memref<79x128xi32, #tpu.memory_space<vmem>>, %arg9: memref<79x128xi32, #tpu.memory_space<vmem>>, %arg10: memref<128x128xf32, #tpu.memory_space<vmem>>, %arg11: memref<10016x128xf32, #tpu.memory_space<vmem_shared>>, %arg12: memref<!tpu.dma_semaphore, #tpu.memory_space<semaphore_mem>>) attributes {dimension_semantics = [#tpu.dimension_semantics<core_parallel>, #tpu.dimension_semantics<subcore_parallel>], iteration_bounds = array<i64: 2, 16>, scalar_prefetch = 0 : i64, scratch_operands = 5 : i64, tpu.core_type = #tpu.core_type<sc_vector_subcore>, window_params = [{transform_indices = #map}, {transform_indices = #map1}, {transform_indices = #map1}, {transform_indices = #map}, {transform_indices = #map}, {transform_indices = #map}]} {
    %eq3A = arith.constant 0 : i32
    %eq3A_0 = arith.cmpi eq, %arg1, %eq3A : i32
    %convert_element_type3A = arith.extui %eq3A_0 : i1 to i32
    %cond3A = arith.constant 0 : i32
    %cond3A_1 = arith.cmpi ne, %convert_element_type3A, %cond3A : i32
    scf.if %cond3A_1 {
      "tpu.region"() ({
        %run_scoped3A = tpu.sem_alloc : memref<!tpu.dma_semaphore, #tpu.memory_space<semaphore_mem>>
        tpu.enqueue_dma source(%arg5 : memref<10016x128xf32, #tpu.memory_space<hbm>>) target(%arg11 : memref<10016x128xf32, #tpu.memory_space<vmem_shared>>) target_semaphore(%run_scoped3A : memref<!tpu.dma_semaphore, #tpu.memory_space<semaphore_mem>>)
        tpu.wait_dma2 semaphore(%run_scoped3A : memref<!tpu.dma_semaphore, #tpu.memory_space<semaphore_mem>>) src(%arg5 : memref<10016x128xf32, #tpu.memory_space<hbm>>) dst(%arg11 : memref<10016x128xf32, #tpu.memory_space<vmem_shared>>)
        tpu.yield
      }) : () -> ()
    } else {
    }
    %barrier3A = arith.constant 0 : index
    tpu.barrier barrier_id(%barrier3A)
    %mul3A = arith.constant 16 : i32
    %mul3A_2 = arith.muli %arg0, %mul3A : i32
    %add3A = arith.addi %mul3A_2, %arg1 : i32
    "tpu.region"() ({
      %run_scoped3A = tpu.sem_alloc : memref<!tpu.dma_semaphore, #tpu.memory_space<semaphore_mem>>
      %dma_start3A = arith.constant 0 : i32
      %dma_start3A_24 = arith.constant 0 : i32
      %dma_start3A_25 = tpu.memref_slice %arg3[%add3A, %dma_start3A, %dma_start3A_24] : memref<32x79x128xi32, #tpu.memory_space<hbm>> -> memref<1x79x128xi32, #tpu.memory_space<hbm>>
      %dma_start3A_26 = tpu.memref_squeeze %dma_start3A_25 : memref<1x79x128xi32, #tpu.memory_space<hbm>> -> memref<79x128xi32, #tpu.memory_space<hbm>>
      %dma_start3A_27 = arith.constant 0 : i32
      %dma_start3A_28 = arith.constant 0 : i32
      %dma_start3A_29 = tpu.memref_slice %arg3[%add3A, %dma_start3A_27, %dma_start3A_28] : memref<32x79x128xi32, #tpu.memory_space<hbm>> -> memref<1x79x128xi32, #tpu.memory_space<hbm>>
      %dma_start3A_30 = tpu.memref_squeeze %dma_start3A_29 : memref<1x79x128xi32, #tpu.memory_space<hbm>> -> memref<79x128xi32, #tpu.memory_space<hbm>>
      tpu.enqueue_dma source(%dma_start3A_30 : memref<79x128xi32, #tpu.memory_space<hbm>>) target(%arg8 : memref<79x128xi32, #tpu.memory_space<vmem>>) target_semaphore(%run_scoped3A : memref<!tpu.dma_semaphore, #tpu.memory_space<semaphore_mem>>)
      %dma_wait3A = arith.constant 0 : i32
      %dma_wait3A_31 = arith.constant 0 : i32
      %dma_wait3A_32 = tpu.memref_slice %arg3[%add3A, %dma_wait3A, %dma_wait3A_31] : memref<32x79x128xi32, #tpu.memory_space<hbm>> -> memref<1x79x128xi32, #tpu.memory_space<hbm>>
      %dma_wait3A_33 = tpu.memref_squeeze %dma_wait3A_32 : memref<1x79x128xi32, #tpu.memory_space<hbm>> -> memref<79x128xi32, #tpu.memory_space<hbm>>
      %dma_wait3A_34 = arith.constant 0 : i32
      %dma_wait3A_35 = arith.constant 0 : i32
      %dma_wait3A_36 = tpu.memref_slice %arg3[%add3A, %dma_wait3A_34, %dma_wait3A_35] : memref<32x79x128xi32, #tpu.memory_space<hbm>> -> memref<1x79x128xi32, #tpu.memory_space<hbm>>
      %dma_wait3A_37 = tpu.memref_squeeze %dma_wait3A_36 : memref<1x79x128xi32, #tpu.memory_space<hbm>> -> memref<79x128xi32, #tpu.memory_space<hbm>>
      tpu.wait_dma2 semaphore(%run_scoped3A : memref<!tpu.dma_semaphore, #tpu.memory_space<semaphore_mem>>) src(%dma_wait3A_37 : memref<79x128xi32, #tpu.memory_space<hbm>>) dst(%arg8 : memref<79x128xi32, #tpu.memory_space<vmem>>)
      tpu.yield
    }) : () -> ()
    "tpu.region"() ({
      %run_scoped3A = tpu.sem_alloc : memref<!tpu.dma_semaphore, #tpu.memory_space<semaphore_mem>>
      %dma_start3A = arith.constant 0 : i32
      %dma_start3A_24 = arith.constant 0 : i32
      %dma_start3A_25 = tpu.memref_slice %arg4[%add3A, %dma_start3A, %dma_start3A_24] : memref<32x79x128xi32, #tpu.memory_space<hbm>> -> memref<1x79x128xi32, #tpu.memory_space<hbm>>
      %dma_start3A_26 = tpu.memref_squeeze %dma_start3A_25 : memref<1x79x128xi32, #tpu.memory_space<hbm>> -> memref<79x128xi32, #tpu.memory_space<hbm>>
      %dma_start3A_27 = arith.constant 0 : i32
      %dma_start3A_28 = arith.constant 0 : i32
      %dma_start3A_29 = tpu.memref_slice %arg4[%add3A, %dma_start3A_27, %dma_start3A_28] : memref<32x79x128xi32, #tpu.memory_space<hbm>> -> memref<1x79x128xi32, #tpu.memory_space<hbm>>
      %dma_start3A_30 = tpu.memref_squeeze %dma_start3A_29 : memref<1x79x128xi32, #tpu.memory_space<hbm>> -> memref<79x128xi32, #tpu.memory_space<hbm>>
      tpu.enqueue_dma source(%dma_start3A_30 : memref<79x128xi32, #tpu.memory_space<hbm>>) target(%arg9 : memref<79x128xi32, #tpu.memory_space<vmem>>) target_semaphore(%run_scoped3A : memref<!tpu.dma_semaphore, #tpu.memory_space<semaphore_mem>>)
      %dma_wait3A = arith.constant 0 : i32
      %dma_wait3A_31 = arith.constant 0 : i32
      %dma_wait3A_32 = tpu.memref_slice %arg4[%add3A, %dma_wait3A, %dma_wait3A_31] : memref<32x79x128xi32, #tpu.memory_space<hbm>> -> memref<1x79x128xi32, #tpu.memory_space<hbm>>
      %dma_wait3A_33 = tpu.memref_squeeze %dma_wait3A_32 : memref<1x79x128xi32, #tpu.memory_space<hbm>> -> memref<79x128xi32, #tpu.memory_space<hbm>>
      %dma_wait3A_34 = arith.constant 0 : i32
      %dma_wait3A_35 = arith.constant 0 : i32
      %dma_wait3A_36 = tpu.memref_slice %arg4[%add3A, %dma_wait3A_34, %dma_wait3A_35] : memref<32x79x128xi32, #tpu.memory_space<hbm>> -> memref<1x79x128xi32, #tpu.memory_space<hbm>>
      %dma_wait3A_37 = tpu.memref_squeeze %dma_wait3A_36 : memref<1x79x128xi32, #tpu.memory_space<hbm>> -> memref<79x128xi32, #tpu.memory_space<hbm>>
      tpu.wait_dma2 semaphore(%run_scoped3A : memref<!tpu.dma_semaphore, #tpu.memory_space<semaphore_mem>>) src(%dma_wait3A_37 : memref<79x128xi32, #tpu.memory_space<hbm>>) dst(%arg9 : memref<79x128xi32, #tpu.memory_space<vmem>>)
      tpu.yield
    }) : () -> ()
    %scan3A = arith.constant 0 : i32
    %scan3A_3 = arith.constant 0 : i32
    %scan3A_4 = arith.constant 79 : i32
    %scan3A_5 = arith.addi %scan3A_3, %scan3A_4 : i32
    %scan3A_6 = arith.constant 1 : i32
    scf.for %scan3A_24 = %scan3A_3 to %scan3A_5 step %scan3A_6  : i32 {
      %dma_start3A = arith.constant 0 : i32
      %dma_start3A_25 = tpu.memref_slice %arg8[%scan3A_24, %dma_start3A] : memref<79x128xi32, #tpu.memory_space<vmem>> -> memref<1x128xi32, #tpu.memory_space<vmem>>
      %dma_start3A_26 = tpu.memref_squeeze %dma_start3A_25 : memref<1x128xi32, #tpu.memory_space<vmem>> -> memref<128xi32, #tpu.memory_space<vmem>>
      %dma_start3A_27 = arith.constant 0 : i32
      %dma_start3A_28 = arith.constant 0 : i32
      %dma_start3A_29 = tpu.memref_slice %arg2[%dma_start3A_27, %dma_start3A_28] : memref<10000x128xf32, #tpu.memory_space<hbm>> -> memref<10000x128xf32, #tpu.memory_space<hbm>>
      tpu.enqueue_indirect_dma source(%dma_start3A_29 : memref<10000x128xf32, #tpu.memory_space<hbm>>) target(%arg10 : memref<128x128xf32, #tpu.memory_space<vmem>>) offsets(%dma_start3A_26 : memref<128xi32, #tpu.memory_space<vmem>>) semaphore(%arg12 : memref<!tpu.dma_semaphore, #tpu.memory_space<semaphore_mem>>)
      %dma_wait3A = arith.constant 0 : i32
      %dma_wait3A_30 = tpu.memref_slice %arg8[%scan3A_24, %dma_wait3A] : memref<79x128xi32, #tpu.memory_space<vmem>> -> memref<1x128xi32, #tpu.memory_space<vmem>>
      %dma_wait3A_31 = tpu.memref_squeeze %dma_wait3A_30 : memref<1x128xi32, #tpu.memory_space<vmem>> -> memref<128xi32, #tpu.memory_space<vmem>>
      %dma_wait3A_32 = arith.constant 0 : i32
      %dma_wait3A_33 = arith.constant 0 : i32
      %dma_wait3A_34 = tpu.memref_slice %arg2[%dma_wait3A_32, %dma_wait3A_33] : memref<10000x128xf32, #tpu.memory_space<hbm>> -> memref<10000x128xf32, #tpu.memory_space<hbm>>
      tpu.wait_indirect_dma semaphore(%arg12 : memref<!tpu.dma_semaphore, #tpu.memory_space<semaphore_mem>>) src(%dma_wait3A_34 : memref<10000x128xf32, #tpu.memory_space<hbm>>) dst(%arg10 : memref<128x128xf32, #tpu.memory_space<vmem>>)
      "tpu.region"() ({
        %run_scoped3A = tpu.sem_alloc : memref<!tpu.dma_semaphore, #tpu.memory_space<semaphore_mem>>
        %dma_start3A_35 = arith.constant 0 : i32
        %dma_start3A_36 = tpu.memref_slice %arg9[%scan3A_24, %dma_start3A_35] : memref<79x128xi32, #tpu.memory_space<vmem>> -> memref<1x128xi32, #tpu.memory_space<vmem>>
        %dma_start3A_37 = tpu.memref_squeeze %dma_start3A_36 : memref<1x128xi32, #tpu.memory_space<vmem>> -> memref<128xi32, #tpu.memory_space<vmem>>
        %dma_start3A_38 = arith.constant 0 : i32
        %dma_start3A_39 = arith.constant 0 : i32
        %dma_start3A_40 = tpu.memref_slice %arg11[%dma_start3A_38, %dma_start3A_39] : memref<10016x128xf32, #tpu.memory_space<vmem_shared>> -> memref<10016x128xf32, #tpu.memory_space<vmem_shared>>
        tpu.enqueue_indirect_dma source(%arg10 : memref<128x128xf32, #tpu.memory_space<vmem>>) target(%dma_start3A_40 : memref<10016x128xf32, #tpu.memory_space<vmem_shared>>) offsets(%dma_start3A_37 : memref<128xi32, #tpu.memory_space<vmem>>) semaphore(%run_scoped3A : memref<!tpu.dma_semaphore, #tpu.memory_space<semaphore_mem>>) {add = true}
        %dma_wait3A_41 = arith.constant 0 : i32
        %dma_wait3A_42 = tpu.memref_slice %arg9[%scan3A_24, %dma_wait3A_41] : memref<79x128xi32, #tpu.memory_space<vmem>> -> memref<1x128xi32, #tpu.memory_space<vmem>>
        %dma_wait3A_43 = tpu.memref_squeeze %dma_wait3A_42 : memref<1x128xi32, #tpu.memory_space<vmem>> -> memref<128xi32, #tpu.memory_space<vmem>>
        %dma_wait3A_44 = arith.constant 0 : i32
        %dma_wait3A_45 = arith.constant 0 : i32
        %dma_wait3A_46 = tpu.memref_slice %arg11[%dma_wait3A_44, %dma_wait3A_45] : memref<10016x128xf32, #tpu.memory_space<vmem_shared>> -> memref<10016x128xf32, #tpu.memory_space<vmem_shared>>
        tpu.wait_indirect_dma semaphore(%run_scoped3A : memref<!tpu.dma_semaphore, #tpu.memory_space<semaphore_mem>>) src(%arg10 : memref<128x128xf32, #tpu.memory_space<vmem>>) dst(%dma_wait3A_46 : memref<10016x128xf32, #tpu.memory_space<vmem_shared>>)
        tpu.yield
      }) : () -> ()
    }
    %scan3A_7 = arith.constant 79 : i32
    %barrier3A_8 = arith.constant 0 : index
    tpu.barrier barrier_id(%barrier3A_8)
    %eq3A_9 = arith.constant 0 : i32
    %eq3A_10 = arith.cmpi eq, %arg1, %eq3A_9 : i32
    %eq3A_11 = arith.constant 0 : i32
    %eq3A_12 = arith.cmpi eq, %arg0, %eq3A_11 : i32
    %and3A = arith.andi %eq3A_10, %eq3A_12 : i1
    %convert_element_type3A_13 = arith.extui %and3A : i1 to i32
    %cond3A_14 = arith.constant 0 : i32
    %cond3A_15 = arith.cmpi ne, %convert_element_type3A_13, %cond3A_14 : i32
    scf.if %cond3A_15 {
      "tpu.region"() ({
        %run_scoped3A = tpu.sem_alloc : memref<!tpu.dma_semaphore, #tpu.memory_space<semaphore_mem>>
        tpu.enqueue_dma source(%arg11 : memref<10016x128xf32, #tpu.memory_space<vmem_shared>>) target(%arg6 : memref<10016x128xf32, #tpu.memory_space<hbm>>) target_semaphore(%run_scoped3A : memref<!tpu.dma_semaphore, #tpu.memory_space<semaphore_mem>>)
        tpu.wait_dma2 semaphore(%run_scoped3A : memref<!tpu.dma_semaphore, #tpu.memory_space<semaphore_mem>>) src(%arg11 : memref<10016x128xf32, #tpu.memory_space<vmem_shared>>) dst(%arg6 : memref<10016x128xf32, #tpu.memory_space<hbm>>)
        tpu.yield
      }) : () -> ()
    } else {
    }
    %eq3A_16 = arith.constant 0 : i32
    %eq3A_17 = arith.cmpi eq, %arg1, %eq3A_16 : i32
    %eq3A_18 = arith.constant 1 : i32
    %eq3A_19 = arith.cmpi eq, %arg0, %eq3A_18 : i32
    %and3A_20 = arith.andi %eq3A_17, %eq3A_19 : i1
    %convert_element_type3A_21 = arith.extui %and3A_20 : i1 to i32
    %cond3A_22 = arith.constant 0 : i32
    %cond3A_23 = arith.cmpi ne, %convert_element_type3A_21, %cond3A_22 : i32
    scf.if %cond3A_23 {
      "tpu.region"() ({
        %run_scoped3A = tpu.sem_alloc : memref<!tpu.dma_semaphore, #tpu.memory_space<semaphore_mem>>
        tpu.enqueue_dma source(%arg11 : memref<10016x128xf32, #tpu.memory_space<vmem_shared>>) target(%arg7 : memref<10016x128xf32, #tpu.memory_space<hbm>>) target_semaphore(%run_scoped3A : memref<!tpu.dma_semaphore, #tpu.memory_space<semaphore_mem>>)
        tpu.wait_dma2 semaphore(%run_scoped3A : memref<!tpu.dma_semaphore, #tpu.memory_space<semaphore_mem>>) src(%arg11 : memref<10016x128xf32, #tpu.memory_space<vmem_shared>>) dst(%arg7 : memref<10016x128xf32, #tpu.memory_space<hbm>>)
        tpu.yield
      }) : () -> ()
    } else {
    }
    return
  }
}

#map = affine_map<(d0, d1) -> (0, 0)>
#map1 = affine_map<(d0, d1) -> (0, 0, 0)>
module attributes {stable_mosaic.version = 14 : i64} {
  func.func @edge_pass(%arg0: i32, %arg1: i32, %arg2: memref<10000x128xf32, #tpu.memory_space<hbm>>, %arg3: memref<32x79x128xi32, #tpu.memory_space<hbm>>, %arg4: memref<32x79x128xi32, #tpu.memory_space<hbm>>, %arg5: memref<10016x128xf32, #tpu.memory_space<hbm>>, %arg6: memref<10016x128xf32, #tpu.memory_space<hbm>>, %arg7: memref<10016x128xf32, #tpu.memory_space<hbm>>, %arg8: memref<79x128xi32, #tpu.memory_space<vmem>>, %arg9: memref<79x128xi32, #tpu.memory_space<vmem>>, %arg10: memref<128x128xf32, #tpu.memory_space<vmem>>, %arg11: memref<10016x128xf32, #tpu.memory_space<vmem_shared>>, %arg12: memref<!tpu.dma_semaphore, #tpu.memory_space<semaphore_mem>>) attributes {dimension_semantics = [#tpu.dimension_semantics<core_parallel>, #tpu.dimension_semantics<subcore_parallel>], iteration_bounds = array<i64: 2, 16>, scalar_prefetch = 0 : i64, scratch_operands = 5 : i64, tpu.core_type = #tpu.core_type<sc_vector_subcore>, window_params = [{transform_indices = #map}, {transform_indices = #map1}, {transform_indices = #map1}, {transform_indices = #map}, {transform_indices = #map}, {transform_indices = #map}]} {
    %eq3A = arith.constant 0 : i32
    %eq3A_0 = arith.cmpi eq, %arg1, %eq3A : i32
    %convert_element_type3A = arith.extui %eq3A_0 : i1 to i32
    %cond3A = arith.constant 0 : i32
    %cond3A_1 = arith.cmpi ne, %convert_element_type3A, %cond3A : i32
    scf.if %cond3A_1 {
      "tpu.region"() ({
        %run_scoped3A = tpu.sem_alloc : memref<!tpu.dma_semaphore, #tpu.memory_space<semaphore_mem>>
        tpu.enqueue_dma source(%arg5 : memref<10016x128xf32, #tpu.memory_space<hbm>>) target(%arg11 : memref<10016x128xf32, #tpu.memory_space<vmem_shared>>) target_semaphore(%run_scoped3A : memref<!tpu.dma_semaphore, #tpu.memory_space<semaphore_mem>>)
        tpu.wait_dma2 semaphore(%run_scoped3A : memref<!tpu.dma_semaphore, #tpu.memory_space<semaphore_mem>>) src(%arg5 : memref<10016x128xf32, #tpu.memory_space<hbm>>) dst(%arg11 : memref<10016x128xf32, #tpu.memory_space<vmem_shared>>)
        tpu.yield
      }) : () -> ()
    } else {
    }
    %barrier3A = arith.constant 0 : index
    tpu.barrier barrier_id(%barrier3A)
    %mul3A = arith.constant 16 : i32
    %mul3A_2 = arith.muli %arg0, %mul3A : i32
    %add3A = arith.addi %mul3A_2, %arg1 : i32
    "tpu.region"() ({
      %run_scoped3A = tpu.sem_alloc : memref<!tpu.dma_semaphore, #tpu.memory_space<semaphore_mem>>
      %dma_start3A = arith.constant 0 : i32
      %dma_start3A_24 = arith.constant 0 : i32
      %dma_start3A_25 = tpu.memref_slice %arg3[%add3A, %dma_start3A, %dma_start3A_24] : memref<32x79x128xi32, #tpu.memory_space<hbm>> -> memref<1x79x128xi32, #tpu.memory_space<hbm>>
      %dma_start3A_26 = tpu.memref_squeeze %dma_start3A_25 : memref<1x79x128xi32, #tpu.memory_space<hbm>> -> memref<79x128xi32, #tpu.memory_space<hbm>>
      %dma_start3A_27 = arith.constant 0 : i32
      %dma_start3A_28 = arith.constant 0 : i32
      %dma_start3A_29 = tpu.memref_slice %arg3[%add3A, %dma_start3A_27, %dma_start3A_28] : memref<32x79x128xi32, #tpu.memory_space<hbm>> -> memref<1x79x128xi32, #tpu.memory_space<hbm>>
      %dma_start3A_30 = tpu.memref_squeeze %dma_start3A_29 : memref<1x79x128xi32, #tpu.memory_space<hbm>> -> memref<79x128xi32, #tpu.memory_space<hbm>>
      tpu.enqueue_dma source(%dma_start3A_30 : memref<79x128xi32, #tpu.memory_space<hbm>>) target(%arg8 : memref<79x128xi32, #tpu.memory_space<vmem>>) target_semaphore(%run_scoped3A : memref<!tpu.dma_semaphore, #tpu.memory_space<semaphore_mem>>)
      %dma_wait3A = arith.constant 0 : i32
      %dma_wait3A_31 = arith.constant 0 : i32
      %dma_wait3A_32 = tpu.memref_slice %arg3[%add3A, %dma_wait3A, %dma_wait3A_31] : memref<32x79x128xi32, #tpu.memory_space<hbm>> -> memref<1x79x128xi32, #tpu.memory_space<hbm>>
      %dma_wait3A_33 = tpu.memref_squeeze %dma_wait3A_32 : memref<1x79x128xi32, #tpu.memory_space<hbm>> -> memref<79x128xi32, #tpu.memory_space<hbm>>
      %dma_wait3A_34 = arith.constant 0 : i32
      %dma_wait3A_35 = arith.constant 0 : i32
      %dma_wait3A_36 = tpu.memref_slice %arg3[%add3A, %dma_wait3A_34, %dma_wait3A_35] : memref<32x79x128xi32, #tpu.memory_space<hbm>> -> memref<1x79x128xi32, #tpu.memory_space<hbm>>
      %dma_wait3A_37 = tpu.memref_squeeze %dma_wait3A_36 : memref<1x79x128xi32, #tpu.memory_space<hbm>> -> memref<79x128xi32, #tpu.memory_space<hbm>>
      tpu.wait_dma2 semaphore(%run_scoped3A : memref<!tpu.dma_semaphore, #tpu.memory_space<semaphore_mem>>) src(%dma_wait3A_37 : memref<79x128xi32, #tpu.memory_space<hbm>>) dst(%arg8 : memref<79x128xi32, #tpu.memory_space<vmem>>)
      tpu.yield
    }) : () -> ()
    "tpu.region"() ({
      %run_scoped3A = tpu.sem_alloc : memref<!tpu.dma_semaphore, #tpu.memory_space<semaphore_mem>>
      %dma_start3A = arith.constant 0 : i32
      %dma_start3A_24 = arith.constant 0 : i32
      %dma_start3A_25 = tpu.memref_slice %arg4[%add3A, %dma_start3A, %dma_start3A_24] : memref<32x79x128xi32, #tpu.memory_space<hbm>> -> memref<1x79x128xi32, #tpu.memory_space<hbm>>
      %dma_start3A_26 = tpu.memref_squeeze %dma_start3A_25 : memref<1x79x128xi32, #tpu.memory_space<hbm>> -> memref<79x128xi32, #tpu.memory_space<hbm>>
      %dma_start3A_27 = arith.constant 0 : i32
      %dma_start3A_28 = arith.constant 0 : i32
      %dma_start3A_29 = tpu.memref_slice %arg4[%add3A, %dma_start3A_27, %dma_start3A_28] : memref<32x79x128xi32, #tpu.memory_space<hbm>> -> memref<1x79x128xi32, #tpu.memory_space<hbm>>
      %dma_start3A_30 = tpu.memref_squeeze %dma_start3A_29 : memref<1x79x128xi32, #tpu.memory_space<hbm>> -> memref<79x128xi32, #tpu.memory_space<hbm>>
      tpu.enqueue_dma source(%dma_start3A_30 : memref<79x128xi32, #tpu.memory_space<hbm>>) target(%arg9 : memref<79x128xi32, #tpu.memory_space<vmem>>) target_semaphore(%run_scoped3A : memref<!tpu.dma_semaphore, #tpu.memory_space<semaphore_mem>>)
      %dma_wait3A = arith.constant 0 : i32
      %dma_wait3A_31 = arith.constant 0 : i32
      %dma_wait3A_32 = tpu.memref_slice %arg4[%add3A, %dma_wait3A, %dma_wait3A_31] : memref<32x79x128xi32, #tpu.memory_space<hbm>> -> memref<1x79x128xi32, #tpu.memory_space<hbm>>
      %dma_wait3A_33 = tpu.memref_squeeze %dma_wait3A_32 : memref<1x79x128xi32, #tpu.memory_space<hbm>> -> memref<79x128xi32, #tpu.memory_space<hbm>>
      %dma_wait3A_34 = arith.constant 0 : i32
      %dma_wait3A_35 = arith.constant 0 : i32
      %dma_wait3A_36 = tpu.memref_slice %arg4[%add3A, %dma_wait3A_34, %dma_wait3A_35] : memref<32x79x128xi32, #tpu.memory_space<hbm>> -> memref<1x79x128xi32, #tpu.memory_space<hbm>>
      %dma_wait3A_37 = tpu.memref_squeeze %dma_wait3A_36 : memref<1x79x128xi32, #tpu.memory_space<hbm>> -> memref<79x128xi32, #tpu.memory_space<hbm>>
      tpu.wait_dma2 semaphore(%run_scoped3A : memref<!tpu.dma_semaphore, #tpu.memory_space<semaphore_mem>>) src(%dma_wait3A_37 : memref<79x128xi32, #tpu.memory_space<hbm>>) dst(%arg9 : memref<79x128xi32, #tpu.memory_space<vmem>>)
      tpu.yield
    }) : () -> ()
    %scan3A = arith.constant 0 : i32
    %scan3A_3 = arith.constant 0 : i32
    %scan3A_4 = arith.constant 79 : i32
    %scan3A_5 = arith.addi %scan3A_3, %scan3A_4 : i32
    %scan3A_6 = arith.constant 1 : i32
    scf.for %scan3A_24 = %scan3A_3 to %scan3A_5 step %scan3A_6  : i32 {
      %dma_start3A = arith.constant 0 : i32
      %dma_start3A_25 = tpu.memref_slice %arg8[%scan3A_24, %dma_start3A] : memref<79x128xi32, #tpu.memory_space<vmem>> -> memref<1x128xi32, #tpu.memory_space<vmem>>
      %dma_start3A_26 = tpu.memref_squeeze %dma_start3A_25 : memref<1x128xi32, #tpu.memory_space<vmem>> -> memref<128xi32, #tpu.memory_space<vmem>>
      %dma_start3A_27 = arith.constant 0 : i32
      %dma_start3A_28 = arith.constant 0 : i32
      %dma_start3A_29 = tpu.memref_slice %arg2[%dma_start3A_27, %dma_start3A_28] : memref<10000x128xf32, #tpu.memory_space<hbm>> -> memref<10000x128xf32, #tpu.memory_space<hbm>>
      tpu.enqueue_indirect_dma source(%dma_start3A_29 : memref<10000x128xf32, #tpu.memory_space<hbm>>) target(%arg10 : memref<128x128xf32, #tpu.memory_space<vmem>>) offsets(%dma_start3A_26 : memref<128xi32, #tpu.memory_space<vmem>>) semaphore(%arg12 : memref<!tpu.dma_semaphore, #tpu.memory_space<semaphore_mem>>)
      %dma_wait3A = arith.constant 0 : i32
      %dma_wait3A_30 = tpu.memref_slice %arg8[%scan3A_24, %dma_wait3A] : memref<79x128xi32, #tpu.memory_space<vmem>> -> memref<1x128xi32, #tpu.memory_space<vmem>>
      %dma_wait3A_31 = tpu.memref_squeeze %dma_wait3A_30 : memref<1x128xi32, #tpu.memory_space<vmem>> -> memref<128xi32, #tpu.memory_space<vmem>>
      %dma_wait3A_32 = arith.constant 0 : i32
      %dma_wait3A_33 = arith.constant 0 : i32
      %dma_wait3A_34 = tpu.memref_slice %arg2[%dma_wait3A_32, %dma_wait3A_33] : memref<10000x128xf32, #tpu.memory_space<hbm>> -> memref<10000x128xf32, #tpu.memory_space<hbm>>
      tpu.wait_indirect_dma semaphore(%arg12 : memref<!tpu.dma_semaphore, #tpu.memory_space<semaphore_mem>>) src(%dma_wait3A_34 : memref<10000x128xf32, #tpu.memory_space<hbm>>) dst(%arg10 : memref<128x128xf32, #tpu.memory_space<vmem>>)
      "tpu.region"() ({
        %run_scoped3A = tpu.sem_alloc : memref<!tpu.dma_semaphore, #tpu.memory_space<semaphore_mem>>
        %dma_start3A_35 = arith.constant 0 : i32
        %dma_start3A_36 = tpu.memref_slice %arg9[%scan3A_24, %dma_start3A_35] : memref<79x128xi32, #tpu.memory_space<vmem>> -> memref<1x128xi32, #tpu.memory_space<vmem>>
        %dma_start3A_37 = tpu.memref_squeeze %dma_start3A_36 : memref<1x128xi32, #tpu.memory_space<vmem>> -> memref<128xi32, #tpu.memory_space<vmem>>
        %dma_start3A_38 = arith.constant 0 : i32
        %dma_start3A_39 = arith.constant 0 : i32
        %dma_start3A_40 = tpu.memref_slice %arg11[%dma_start3A_38, %dma_start3A_39] : memref<10016x128xf32, #tpu.memory_space<vmem_shared>> -> memref<10016x128xf32, #tpu.memory_space<vmem_shared>>
        tpu.enqueue_indirect_dma source(%arg10 : memref<128x128xf32, #tpu.memory_space<vmem>>) target(%dma_start3A_40 : memref<10016x128xf32, #tpu.memory_space<vmem_shared>>) offsets(%dma_start3A_37 : memref<128xi32, #tpu.memory_space<vmem>>) semaphore(%run_scoped3A : memref<!tpu.dma_semaphore, #tpu.memory_space<semaphore_mem>>) {add = true}
        %dma_wait3A_41 = arith.constant 0 : i32
        %dma_wait3A_42 = tpu.memref_slice %arg9[%scan3A_24, %dma_wait3A_41] : memref<79x128xi32, #tpu.memory_space<vmem>> -> memref<1x128xi32, #tpu.memory_space<vmem>>
        %dma_wait3A_43 = tpu.memref_squeeze %dma_wait3A_42 : memref<1x128xi32, #tpu.memory_space<vmem>> -> memref<128xi32, #tpu.memory_space<vmem>>
        %dma_wait3A_44 = arith.constant 0 : i32
        %dma_wait3A_45 = arith.constant 0 : i32
        %dma_wait3A_46 = tpu.memref_slice %arg11[%dma_wait3A_44, %dma_wait3A_45] : memref<10016x128xf32, #tpu.memory_space<vmem_shared>> -> memref<10016x128xf32, #tpu.memory_space<vmem_shared>>
        tpu.wait_indirect_dma semaphore(%run_scoped3A : memref<!tpu.dma_semaphore, #tpu.memory_space<semaphore_mem>>) src(%arg10 : memref<128x128xf32, #tpu.memory_space<vmem>>) dst(%dma_wait3A_46 : memref<10016x128xf32, #tpu.memory_space<vmem_shared>>)
        tpu.yield
      }) : () -> ()
    }
    %scan3A_7 = arith.constant 79 : i32
    %barrier3A_8 = arith.constant 0 : index
    tpu.barrier barrier_id(%barrier3A_8)
    %eq3A_9 = arith.constant 0 : i32
    %eq3A_10 = arith.cmpi eq, %arg1, %eq3A_9 : i32
    %eq3A_11 = arith.constant 0 : i32
    %eq3A_12 = arith.cmpi eq, %arg0, %eq3A_11 : i32
    %and3A = arith.andi %eq3A_10, %eq3A_12 : i1
    %convert_element_type3A_13 = arith.extui %and3A : i1 to i32
    %cond3A_14 = arith.constant 0 : i32
    %cond3A_15 = arith.cmpi ne, %convert_element_type3A_13, %cond3A_14 : i32
    scf.if %cond3A_15 {
      "tpu.region"() ({
        %run_scoped3A = tpu.sem_alloc : memref<!tpu.dma_semaphore, #tpu.memory_space<semaphore_mem>>
        tpu.enqueue_dma source(%arg11 : memref<10016x128xf32, #tpu.memory_space<vmem_shared>>) target(%arg6 : memref<10016x128xf32, #tpu.memory_space<hbm>>) target_semaphore(%run_scoped3A : memref<!tpu.dma_semaphore, #tpu.memory_space<semaphore_mem>>)
        tpu.wait_dma2 semaphore(%run_scoped3A : memref<!tpu.dma_semaphore, #tpu.memory_space<semaphore_mem>>) src(%arg11 : memref<10016x128xf32, #tpu.memory_space<vmem_shared>>) dst(%arg6 : memref<10016x128xf32, #tpu.memory_space<hbm>>)
        tpu.yield
      }) : () -> ()
    } else {
    }
    %eq3A_16 = arith.constant 0 : i32
    %eq3A_17 = arith.cmpi eq, %arg1, %eq3A_16 : i32
    %eq3A_18 = arith.constant 1 : i32
    %eq3A_19 = arith.cmpi eq, %arg0, %eq3A_18 : i32
    %and3A_20 = arith.andi %eq3A_17, %eq3A_19 : i1
    %convert_element_type3A_21 = arith.extui %and3A_20 : i1 to i32
    %cond3A_22 = arith.constant 0 : i32
    %cond3A_23 = arith.cmpi ne, %convert_element_type3A_21, %cond3A_22 : i32
    scf.if %cond3A_23 {
      "tpu.region"() ({
        %run_scoped3A = tpu.sem_alloc : memref<!tpu.dma_semaphore, #tpu.memory_space<semaphore_mem>>
        tpu.enqueue_dma source(%arg11 : memref<10016x128xf32, #tpu.memory_space<vmem_shared>>) target(%arg7 : memref<10016x128xf32, #tpu.memory_space<hbm>>) target_semaphore(%run_scoped3A : memref<!tpu.dma_semaphore, #tpu.memory_space<semaphore_mem>>)
        tpu.wait_dma2 semaphore(%run_scoped3A : memref<!tpu.dma_semaphore, #tpu.memory_space<semaphore_mem>>) src(%arg11 : memref<10016x128xf32, #tpu.memory_space<vmem_shared>>) dst(%arg7 : memref<10016x128xf32, #tpu.memory_space<hbm>>)
        tpu.yield
      }) : () -> ()
    } else {
    }
    return
  }
}

#map = affine_map<(d0, d1) -> (0, 0)>
#map1 = affine_map<(d0, d1) -> (0, 0, 0)>
module attributes {stable_mosaic.version = 14 : i64} {
  func.func @edge_pass(%arg0: i32, %arg1: i32, %arg2: memref<10000x128xf32, #tpu.memory_space<hbm>>, %arg3: memref<32x79x128xi32, #tpu.memory_space<hbm>>, %arg4: memref<32x79x128xi32, #tpu.memory_space<hbm>>, %arg5: memref<10016x128xf32, #tpu.memory_space<hbm>>, %arg6: memref<10016x128xf32, #tpu.memory_space<hbm>>, %arg7: memref<10016x128xf32, #tpu.memory_space<hbm>>, %arg8: memref<79x128xi32, #tpu.memory_space<vmem>>, %arg9: memref<79x128xi32, #tpu.memory_space<vmem>>, %arg10: memref<128x128xf32, #tpu.memory_space<vmem>>, %arg11: memref<10016x128xf32, #tpu.memory_space<vmem_shared>>, %arg12: memref<!tpu.dma_semaphore, #tpu.memory_space<semaphore_mem>>) attributes {dimension_semantics = [#tpu.dimension_semantics<core_parallel>, #tpu.dimension_semantics<subcore_parallel>], iteration_bounds = array<i64: 2, 16>, scalar_prefetch = 0 : i64, scratch_operands = 5 : i64, tpu.core_type = #tpu.core_type<sc_vector_subcore>, window_params = [{transform_indices = #map}, {transform_indices = #map1}, {transform_indices = #map1}, {transform_indices = #map}, {transform_indices = #map}, {transform_indices = #map}]} {
    %eq3A = arith.constant 0 : i32
    %eq3A_0 = arith.cmpi eq, %arg1, %eq3A : i32
    %convert_element_type3A = arith.extui %eq3A_0 : i1 to i32
    %cond3A = arith.constant 0 : i32
    %cond3A_1 = arith.cmpi ne, %convert_element_type3A, %cond3A : i32
    scf.if %cond3A_1 {
      "tpu.region"() ({
        %run_scoped3A = tpu.sem_alloc : memref<!tpu.dma_semaphore, #tpu.memory_space<semaphore_mem>>
        tpu.enqueue_dma source(%arg5 : memref<10016x128xf32, #tpu.memory_space<hbm>>) target(%arg11 : memref<10016x128xf32, #tpu.memory_space<vmem_shared>>) target_semaphore(%run_scoped3A : memref<!tpu.dma_semaphore, #tpu.memory_space<semaphore_mem>>)
        tpu.wait_dma2 semaphore(%run_scoped3A : memref<!tpu.dma_semaphore, #tpu.memory_space<semaphore_mem>>) src(%arg5 : memref<10016x128xf32, #tpu.memory_space<hbm>>) dst(%arg11 : memref<10016x128xf32, #tpu.memory_space<vmem_shared>>)
        tpu.yield
      }) : () -> ()
    } else {
    }
    %barrier3A = arith.constant 0 : index
    tpu.barrier barrier_id(%barrier3A)
    %mul3A = arith.constant 16 : i32
    %mul3A_2 = arith.muli %arg0, %mul3A : i32
    %add3A = arith.addi %mul3A_2, %arg1 : i32
    "tpu.region"() ({
      %run_scoped3A = tpu.sem_alloc : memref<!tpu.dma_semaphore, #tpu.memory_space<semaphore_mem>>
      %dma_start3A = arith.constant 0 : i32
      %dma_start3A_24 = arith.constant 0 : i32
      %dma_start3A_25 = tpu.memref_slice %arg3[%add3A, %dma_start3A, %dma_start3A_24] : memref<32x79x128xi32, #tpu.memory_space<hbm>> -> memref<1x79x128xi32, #tpu.memory_space<hbm>>
      %dma_start3A_26 = tpu.memref_squeeze %dma_start3A_25 : memref<1x79x128xi32, #tpu.memory_space<hbm>> -> memref<79x128xi32, #tpu.memory_space<hbm>>
      %dma_start3A_27 = arith.constant 0 : i32
      %dma_start3A_28 = arith.constant 0 : i32
      %dma_start3A_29 = tpu.memref_slice %arg3[%add3A, %dma_start3A_27, %dma_start3A_28] : memref<32x79x128xi32, #tpu.memory_space<hbm>> -> memref<1x79x128xi32, #tpu.memory_space<hbm>>
      %dma_start3A_30 = tpu.memref_squeeze %dma_start3A_29 : memref<1x79x128xi32, #tpu.memory_space<hbm>> -> memref<79x128xi32, #tpu.memory_space<hbm>>
      tpu.enqueue_dma source(%dma_start3A_30 : memref<79x128xi32, #tpu.memory_space<hbm>>) target(%arg8 : memref<79x128xi32, #tpu.memory_space<vmem>>) target_semaphore(%run_scoped3A : memref<!tpu.dma_semaphore, #tpu.memory_space<semaphore_mem>>)
      %dma_wait3A = arith.constant 0 : i32
      %dma_wait3A_31 = arith.constant 0 : i32
      %dma_wait3A_32 = tpu.memref_slice %arg3[%add3A, %dma_wait3A, %dma_wait3A_31] : memref<32x79x128xi32, #tpu.memory_space<hbm>> -> memref<1x79x128xi32, #tpu.memory_space<hbm>>
      %dma_wait3A_33 = tpu.memref_squeeze %dma_wait3A_32 : memref<1x79x128xi32, #tpu.memory_space<hbm>> -> memref<79x128xi32, #tpu.memory_space<hbm>>
      %dma_wait3A_34 = arith.constant 0 : i32
      %dma_wait3A_35 = arith.constant 0 : i32
      %dma_wait3A_36 = tpu.memref_slice %arg3[%add3A, %dma_wait3A_34, %dma_wait3A_35] : memref<32x79x128xi32, #tpu.memory_space<hbm>> -> memref<1x79x128xi32, #tpu.memory_space<hbm>>
      %dma_wait3A_37 = tpu.memref_squeeze %dma_wait3A_36 : memref<1x79x128xi32, #tpu.memory_space<hbm>> -> memref<79x128xi32, #tpu.memory_space<hbm>>
      tpu.wait_dma2 semaphore(%run_scoped3A : memref<!tpu.dma_semaphore, #tpu.memory_space<semaphore_mem>>) src(%dma_wait3A_37 : memref<79x128xi32, #tpu.memory_space<hbm>>) dst(%arg8 : memref<79x128xi32, #tpu.memory_space<vmem>>)
      tpu.yield
    }) : () -> ()
    "tpu.region"() ({
      %run_scoped3A = tpu.sem_alloc : memref<!tpu.dma_semaphore, #tpu.memory_space<semaphore_mem>>
      %dma_start3A = arith.constant 0 : i32
      %dma_start3A_24 = arith.constant 0 : i32
      %dma_start3A_25 = tpu.memref_slice %arg4[%add3A, %dma_start3A, %dma_start3A_24] : memref<32x79x128xi32, #tpu.memory_space<hbm>> -> memref<1x79x128xi32, #tpu.memory_space<hbm>>
      %dma_start3A_26 = tpu.memref_squeeze %dma_start3A_25 : memref<1x79x128xi32, #tpu.memory_space<hbm>> -> memref<79x128xi32, #tpu.memory_space<hbm>>
      %dma_start3A_27 = arith.constant 0 : i32
      %dma_start3A_28 = arith.constant 0 : i32
      %dma_start3A_29 = tpu.memref_slice %arg4[%add3A, %dma_start3A_27, %dma_start3A_28] : memref<32x79x128xi32, #tpu.memory_space<hbm>> -> memref<1x79x128xi32, #tpu.memory_space<hbm>>
      %dma_start3A_30 = tpu.memref_squeeze %dma_start3A_29 : memref<1x79x128xi32, #tpu.memory_space<hbm>> -> memref<79x128xi32, #tpu.memory_space<hbm>>
      tpu.enqueue_dma source(%dma_start3A_30 : memref<79x128xi32, #tpu.memory_space<hbm>>) target(%arg9 : memref<79x128xi32, #tpu.memory_space<vmem>>) target_semaphore(%run_scoped3A : memref<!tpu.dma_semaphore, #tpu.memory_space<semaphore_mem>>)
      %dma_wait3A = arith.constant 0 : i32
      %dma_wait3A_31 = arith.constant 0 : i32
      %dma_wait3A_32 = tpu.memref_slice %arg4[%add3A, %dma_wait3A, %dma_wait3A_31] : memref<32x79x128xi32, #tpu.memory_space<hbm>> -> memref<1x79x128xi32, #tpu.memory_space<hbm>>
      %dma_wait3A_33 = tpu.memref_squeeze %dma_wait3A_32 : memref<1x79x128xi32, #tpu.memory_space<hbm>> -> memref<79x128xi32, #tpu.memory_space<hbm>>
      %dma_wait3A_34 = arith.constant 0 : i32
      %dma_wait3A_35 = arith.constant 0 : i32
      %dma_wait3A_36 = tpu.memref_slice %arg4[%add3A, %dma_wait3A_34, %dma_wait3A_35] : memref<32x79x128xi32, #tpu.memory_space<hbm>> -> memref<1x79x128xi32, #tpu.memory_space<hbm>>
      %dma_wait3A_37 = tpu.memref_squeeze %dma_wait3A_36 : memref<1x79x128xi32, #tpu.memory_space<hbm>> -> memref<79x128xi32, #tpu.memory_space<hbm>>
      tpu.wait_dma2 semaphore(%run_scoped3A : memref<!tpu.dma_semaphore, #tpu.memory_space<semaphore_mem>>) src(%dma_wait3A_37 : memref<79x128xi32, #tpu.memory_space<hbm>>) dst(%arg9 : memref<79x128xi32, #tpu.memory_space<vmem>>)
      tpu.yield
    }) : () -> ()
    %scan3A = arith.constant 0 : i32
    %scan3A_3 = arith.constant 0 : i32
    %scan3A_4 = arith.constant 79 : i32
    %scan3A_5 = arith.addi %scan3A_3, %scan3A_4 : i32
    %scan3A_6 = arith.constant 1 : i32
    scf.for %scan3A_24 = %scan3A_3 to %scan3A_5 step %scan3A_6  : i32 {
      %dma_start3A = arith.constant 0 : i32
      %dma_start3A_25 = tpu.memref_slice %arg8[%scan3A_24, %dma_start3A] : memref<79x128xi32, #tpu.memory_space<vmem>> -> memref<1x128xi32, #tpu.memory_space<vmem>>
      %dma_start3A_26 = tpu.memref_squeeze %dma_start3A_25 : memref<1x128xi32, #tpu.memory_space<vmem>> -> memref<128xi32, #tpu.memory_space<vmem>>
      %dma_start3A_27 = arith.constant 0 : i32
      %dma_start3A_28 = arith.constant 0 : i32
      %dma_start3A_29 = tpu.memref_slice %arg2[%dma_start3A_27, %dma_start3A_28] : memref<10000x128xf32, #tpu.memory_space<hbm>> -> memref<10000x128xf32, #tpu.memory_space<hbm>>
      tpu.enqueue_indirect_dma source(%dma_start3A_29 : memref<10000x128xf32, #tpu.memory_space<hbm>>) target(%arg10 : memref<128x128xf32, #tpu.memory_space<vmem>>) offsets(%dma_start3A_26 : memref<128xi32, #tpu.memory_space<vmem>>) semaphore(%arg12 : memref<!tpu.dma_semaphore, #tpu.memory_space<semaphore_mem>>)
      %dma_wait3A = arith.constant 0 : i32
      %dma_wait3A_30 = tpu.memref_slice %arg8[%scan3A_24, %dma_wait3A] : memref<79x128xi32, #tpu.memory_space<vmem>> -> memref<1x128xi32, #tpu.memory_space<vmem>>
      %dma_wait3A_31 = tpu.memref_squeeze %dma_wait3A_30 : memref<1x128xi32, #tpu.memory_space<vmem>> -> memref<128xi32, #tpu.memory_space<vmem>>
      %dma_wait3A_32 = arith.constant 0 : i32
      %dma_wait3A_33 = arith.constant 0 : i32
      %dma_wait3A_34 = tpu.memref_slice %arg2[%dma_wait3A_32, %dma_wait3A_33] : memref<10000x128xf32, #tpu.memory_space<hbm>> -> memref<10000x128xf32, #tpu.memory_space<hbm>>
      tpu.wait_indirect_dma semaphore(%arg12 : memref<!tpu.dma_semaphore, #tpu.memory_space<semaphore_mem>>) src(%dma_wait3A_34 : memref<10000x128xf32, #tpu.memory_space<hbm>>) dst(%arg10 : memref<128x128xf32, #tpu.memory_space<vmem>>)
      "tpu.region"() ({
        %run_scoped3A = tpu.sem_alloc : memref<!tpu.dma_semaphore, #tpu.memory_space<semaphore_mem>>
        %dma_start3A_35 = arith.constant 0 : i32
        %dma_start3A_36 = tpu.memref_slice %arg9[%scan3A_24, %dma_start3A_35] : memref<79x128xi32, #tpu.memory_space<vmem>> -> memref<1x128xi32, #tpu.memory_space<vmem>>
        %dma_start3A_37 = tpu.memref_squeeze %dma_start3A_36 : memref<1x128xi32, #tpu.memory_space<vmem>> -> memref<128xi32, #tpu.memory_space<vmem>>
        %dma_start3A_38 = arith.constant 0 : i32
        %dma_start3A_39 = arith.constant 0 : i32
        %dma_start3A_40 = tpu.memref_slice %arg11[%dma_start3A_38, %dma_start3A_39] : memref<10016x128xf32, #tpu.memory_space<vmem_shared>> -> memref<10016x128xf32, #tpu.memory_space<vmem_shared>>
        tpu.enqueue_indirect_dma source(%arg10 : memref<128x128xf32, #tpu.memory_space<vmem>>) target(%dma_start3A_40 : memref<10016x128xf32, #tpu.memory_space<vmem_shared>>) offsets(%dma_start3A_37 : memref<128xi32, #tpu.memory_space<vmem>>) semaphore(%run_scoped3A : memref<!tpu.dma_semaphore, #tpu.memory_space<semaphore_mem>>) {add = true}
        %dma_wait3A_41 = arith.constant 0 : i32
        %dma_wait3A_42 = tpu.memref_slice %arg9[%scan3A_24, %dma_wait3A_41] : memref<79x128xi32, #tpu.memory_space<vmem>> -> memref<1x128xi32, #tpu.memory_space<vmem>>
        %dma_wait3A_43 = tpu.memref_squeeze %dma_wait3A_42 : memref<1x128xi32, #tpu.memory_space<vmem>> -> memref<128xi32, #tpu.memory_space<vmem>>
        %dma_wait3A_44 = arith.constant 0 : i32
        %dma_wait3A_45 = arith.constant 0 : i32
        %dma_wait3A_46 = tpu.memref_slice %arg11[%dma_wait3A_44, %dma_wait3A_45] : memref<10016x128xf32, #tpu.memory_space<vmem_shared>> -> memref<10016x128xf32, #tpu.memory_space<vmem_shared>>
        tpu.wait_indirect_dma semaphore(%run_scoped3A : memref<!tpu.dma_semaphore, #tpu.memory_space<semaphore_mem>>) src(%arg10 : memref<128x128xf32, #tpu.memory_space<vmem>>) dst(%dma_wait3A_46 : memref<10016x128xf32, #tpu.memory_space<vmem_shared>>)
        tpu.yield
      }) : () -> ()
    }
    %scan3A_7 = arith.constant 79 : i32
    %barrier3A_8 = arith.constant 0 : index
    tpu.barrier barrier_id(%barrier3A_8)
    %eq3A_9 = arith.constant 0 : i32
    %eq3A_10 = arith.cmpi eq, %arg1, %eq3A_9 : i32
    %eq3A_11 = arith.constant 0 : i32
    %eq3A_12 = arith.cmpi eq, %arg0, %eq3A_11 : i32
    %and3A = arith.andi %eq3A_10, %eq3A_12 : i1
    %convert_element_type3A_13 = arith.extui %and3A : i1 to i32
    %cond3A_14 = arith.constant 0 : i32
    %cond3A_15 = arith.cmpi ne, %convert_element_type3A_13, %cond3A_14 : i32
    scf.if %cond3A_15 {
      "tpu.region"() ({
        %run_scoped3A = tpu.sem_alloc : memref<!tpu.dma_semaphore, #tpu.memory_space<semaphore_mem>>
        tpu.enqueue_dma source(%arg11 : memref<10016x128xf32, #tpu.memory_space<vmem_shared>>) target(%arg6 : memref<10016x128xf32, #tpu.memory_space<hbm>>) target_semaphore(%run_scoped3A : memref<!tpu.dma_semaphore, #tpu.memory_space<semaphore_mem>>)
        tpu.wait_dma2 semaphore(%run_scoped3A : memref<!tpu.dma_semaphore, #tpu.memory_space<semaphore_mem>>) src(%arg11 : memref<10016x128xf32, #tpu.memory_space<vmem_shared>>) dst(%arg6 : memref<10016x128xf32, #tpu.memory_space<hbm>>)
        tpu.yield
      }) : () -> ()
    } else {
    }
    %eq3A_16 = arith.constant 0 : i32
    %eq3A_17 = arith.cmpi eq, %arg1, %eq3A_16 : i32
    %eq3A_18 = arith.constant 1 : i32
    %eq3A_19 = arith.cmpi eq, %arg0, %eq3A_18 : i32
    %and3A_20 = arith.andi %eq3A_17, %eq3A_19 : i1
    %convert_element_type3A_21 = arith.extui %and3A_20 : i1 to i32
    %cond3A_22 = arith.constant 0 : i32
    %cond3A_23 = arith.cmpi ne, %convert_element_type3A_21, %cond3A_22 : i32
    scf.if %cond3A_23 {
      "tpu.region"() ({
        %run_scoped3A = tpu.sem_alloc : memref<!tpu.dma_semaphore, #tpu.memory_space<semaphore_mem>>
        tpu.enqueue_dma source(%arg11 : memref<10016x128xf32, #tpu.memory_space<vmem_shared>>) target(%arg7 : memref<10016x128xf32, #tpu.memory_space<hbm>>) target_semaphore(%run_scoped3A : memref<!tpu.dma_semaphore, #tpu.memory_space<semaphore_mem>>)
        tpu.wait_dma2 semaphore(%run_scoped3A : memref<!tpu.dma_semaphore, #tpu.memory_space<semaphore_mem>>) src(%arg11 : memref<10016x128xf32, #tpu.memory_space<vmem_shared>>) dst(%arg7 : memref<10016x128xf32, #tpu.memory_space<hbm>>)
        tpu.yield
      }) : () -> ()
    } else {
    }
    return
  }
}

#map = affine_map<(d0, d1) -> (0, 0, 0)>
#map1 = affine_map<(d0, d1) -> (0, 0)>
module attributes {stable_mosaic.version = 14 : i64} {
  func.func @deg_pass(%arg0: i32, %arg1: i32, %arg2: memref<32x79x128xi32, #tpu.memory_space<hbm>>, %arg3: memref<128x128xf32, #tpu.memory_space<hbm>>, %arg4: memref<10016x128xf32, #tpu.memory_space<hbm>>, %arg5: memref<10016x128xf32, #tpu.memory_space<hbm>>, %arg6: memref<10016x128xf32, #tpu.memory_space<hbm>>, %arg7: memref<79x128xi32, #tpu.memory_space<vmem>>, %arg8: memref<128x128xf32, #tpu.memory_space<vmem>>, %arg9: memref<10016x128xf32, #tpu.memory_space<vmem_shared>>) attributes {dimension_semantics = [#tpu.dimension_semantics<core_parallel>, #tpu.dimension_semantics<subcore_parallel>], iteration_bounds = array<i64: 2, 16>, scalar_prefetch = 0 : i64, scratch_operands = 3 : i64, tpu.core_type = #tpu.core_type<sc_vector_subcore>, window_params = [{transform_indices = #map}, {transform_indices = #map1}, {transform_indices = #map1}, {transform_indices = #map1}, {transform_indices = #map1}]} {
    %mul3A = arith.constant 16 : i32
    %mul3A_0 = arith.muli %arg0, %mul3A : i32
    %add3A = arith.addi %mul3A_0, %arg1 : i32
    %eq3A = arith.constant 0 : i32
    %eq3A_1 = arith.cmpi eq, %arg1, %eq3A : i32
    %convert_element_type3A = arith.extui %eq3A_1 : i1 to i32
    %cond3A = arith.constant 0 : i32
    %cond3A_2 = arith.cmpi ne, %convert_element_type3A, %cond3A : i32
    scf.if %cond3A_2 {
      "tpu.region"() ({
        %run_scoped3A = tpu.sem_alloc : memref<!tpu.dma_semaphore, #tpu.memory_space<semaphore_mem>>
        tpu.enqueue_dma source(%arg4 : memref<10016x128xf32, #tpu.memory_space<hbm>>) target(%arg9 : memref<10016x128xf32, #tpu.memory_space<vmem_shared>>) target_semaphore(%run_scoped3A : memref<!tpu.dma_semaphore, #tpu.memory_space<semaphore_mem>>)
        tpu.wait_dma2 semaphore(%run_scoped3A : memref<!tpu.dma_semaphore, #tpu.memory_space<semaphore_mem>>) src(%arg4 : memref<10016x128xf32, #tpu.memory_space<hbm>>) dst(%arg9 : memref<10016x128xf32, #tpu.memory_space<vmem_shared>>)
        tpu.yield
      }) : () -> ()
    } else {
    }
    %barrier3A = arith.constant 0 : index
    tpu.barrier barrier_id(%barrier3A)
    "tpu.region"() ({
      %run_scoped3A = tpu.sem_alloc : memref<!tpu.dma_semaphore, #tpu.memory_space<semaphore_mem>>
      %dma_start3A = arith.constant 0 : i32
      %dma_start3A_24 = arith.constant 0 : i32
      %dma_start3A_25 = tpu.memref_slice %arg2[%add3A, %dma_start3A, %dma_start3A_24] : memref<32x79x128xi32, #tpu.memory_space<hbm>> -> memref<1x79x128xi32, #tpu.memory_space<hbm>>
      %dma_start3A_26 = tpu.memref_squeeze %dma_start3A_25 : memref<1x79x128xi32, #tpu.memory_space<hbm>> -> memref<79x128xi32, #tpu.memory_space<hbm>>
      %dma_start3A_27 = arith.constant 0 : i32
      %dma_start3A_28 = arith.constant 0 : i32
      %dma_start3A_29 = tpu.memref_slice %arg2[%add3A, %dma_start3A_27, %dma_start3A_28] : memref<32x79x128xi32, #tpu.memory_space<hbm>> -> memref<1x79x128xi32, #tpu.memory_space<hbm>>
      %dma_start3A_30 = tpu.memref_squeeze %dma_start3A_29 : memref<1x79x128xi32, #tpu.memory_space<hbm>> -> memref<79x128xi32, #tpu.memory_space<hbm>>
      tpu.enqueue_dma source(%dma_start3A_30 : memref<79x128xi32, #tpu.memory_space<hbm>>) target(%arg7 : memref<79x128xi32, #tpu.memory_space<vmem>>) target_semaphore(%run_scoped3A : memref<!tpu.dma_semaphore, #tpu.memory_space<semaphore_mem>>)
      %dma_wait3A = arith.constant 0 : i32
      %dma_wait3A_31 = arith.constant 0 : i32
      %dma_wait3A_32 = tpu.memref_slice %arg2[%add3A, %dma_wait3A, %dma_wait3A_31] : memref<32x79x128xi32, #tpu.memory_space<hbm>> -> memref<1x79x128xi32, #tpu.memory_space<hbm>>
      %dma_wait3A_33 = tpu.memref_squeeze %dma_wait3A_32 : memref<1x79x128xi32, #tpu.memory_space<hbm>> -> memref<79x128xi32, #tpu.memory_space<hbm>>
      %dma_wait3A_34 = arith.constant 0 : i32
      %dma_wait3A_35 = arith.constant 0 : i32
      %dma_wait3A_36 = tpu.memref_slice %arg2[%add3A, %dma_wait3A_34, %dma_wait3A_35] : memref<32x79x128xi32, #tpu.memory_space<hbm>> -> memref<1x79x128xi32, #tpu.memory_space<hbm>>
      %dma_wait3A_37 = tpu.memref_squeeze %dma_wait3A_36 : memref<1x79x128xi32, #tpu.memory_space<hbm>> -> memref<79x128xi32, #tpu.memory_space<hbm>>
      tpu.wait_dma2 semaphore(%run_scoped3A : memref<!tpu.dma_semaphore, #tpu.memory_space<semaphore_mem>>) src(%dma_wait3A_37 : memref<79x128xi32, #tpu.memory_space<hbm>>) dst(%arg7 : memref<79x128xi32, #tpu.memory_space<vmem>>)
      tpu.yield
    }) : () -> ()
    "tpu.region"() ({
      %run_scoped3A = tpu.sem_alloc : memref<!tpu.dma_semaphore, #tpu.memory_space<semaphore_mem>>
      tpu.enqueue_dma source(%arg3 : memref<128x128xf32, #tpu.memory_space<hbm>>) target(%arg8 : memref<128x128xf32, #tpu.memory_space<vmem>>) target_semaphore(%run_scoped3A : memref<!tpu.dma_semaphore, #tpu.memory_space<semaphore_mem>>)
      tpu.wait_dma2 semaphore(%run_scoped3A : memref<!tpu.dma_semaphore, #tpu.memory_space<semaphore_mem>>) src(%arg3 : memref<128x128xf32, #tpu.memory_space<hbm>>) dst(%arg8 : memref<128x128xf32, #tpu.memory_space<vmem>>)
      tpu.yield
    }) : () -> ()
    %scan3A = arith.constant 0 : i32
    %scan3A_3 = arith.constant 0 : i32
    %scan3A_4 = arith.constant 79 : i32
    %scan3A_5 = arith.addi %scan3A_3, %scan3A_4 : i32
    %scan3A_6 = arith.constant 1 : i32
    scf.for %scan3A_24 = %scan3A_3 to %scan3A_5 step %scan3A_6  : i32 {
      "tpu.region"() ({
        %run_scoped3A = tpu.sem_alloc : memref<!tpu.dma_semaphore, #tpu.memory_space<semaphore_mem>>
        %dma_start3A = arith.constant 0 : i32
        %dma_start3A_25 = tpu.memref_slice %arg7[%scan3A_24, %dma_start3A] : memref<79x128xi32, #tpu.memory_space<vmem>> -> memref<1x128xi32, #tpu.memory_space<vmem>>
        %dma_start3A_26 = tpu.memref_squeeze %dma_start3A_25 : memref<1x128xi32, #tpu.memory_space<vmem>> -> memref<128xi32, #tpu.memory_space<vmem>>
        %dma_start3A_27 = arith.constant 0 : i32
        %dma_start3A_28 = arith.constant 0 : i32
        %dma_start3A_29 = tpu.memref_slice %arg9[%dma_start3A_27, %dma_start3A_28] : memref<10016x128xf32, #tpu.memory_space<vmem_shared>> -> memref<10016x128xf32, #tpu.memory_space<vmem_shared>>
        tpu.enqueue_indirect_dma source(%arg8 : memref<128x128xf32, #tpu.memory_space<vmem>>) target(%dma_start3A_29 : memref<10016x128xf32, #tpu.memory_space<vmem_shared>>) offsets(%dma_start3A_26 : memref<128xi32, #tpu.memory_space<vmem>>) semaphore(%run_scoped3A : memref<!tpu.dma_semaphore, #tpu.memory_space<semaphore_mem>>) {add = true}
        %dma_wait3A = arith.constant 0 : i32
        %dma_wait3A_30 = tpu.memref_slice %arg7[%scan3A_24, %dma_wait3A] : memref<79x128xi32, #tpu.memory_space<vmem>> -> memref<1x128xi32, #tpu.memory_space<vmem>>
        %dma_wait3A_31 = tpu.memref_squeeze %dma_wait3A_30 : memref<1x128xi32, #tpu.memory_space<vmem>> -> memref<128xi32, #tpu.memory_space<vmem>>
        %dma_wait3A_32 = arith.constant 0 : i32
        %dma_wait3A_33 = arith.constant 0 : i32
        %dma_wait3A_34 = tpu.memref_slice %arg9[%dma_wait3A_32, %dma_wait3A_33] : memref<10016x128xf32, #tpu.memory_space<vmem_shared>> -> memref<10016x128xf32, #tpu.memory_space<vmem_shared>>
        tpu.wait_indirect_dma semaphore(%run_scoped3A : memref<!tpu.dma_semaphore, #tpu.memory_space<semaphore_mem>>) src(%arg8 : memref<128x128xf32, #tpu.memory_space<vmem>>) dst(%dma_wait3A_34 : memref<10016x128xf32, #tpu.memory_space<vmem_shared>>)
        tpu.yield
      }) : () -> ()
    }
    %scan3A_7 = arith.constant 79 : i32
    %barrier3A_8 = arith.constant 0 : index
    tpu.barrier barrier_id(%barrier3A_8)
    %eq3A_9 = arith.constant 0 : i32
    %eq3A_10 = arith.cmpi eq, %arg1, %eq3A_9 : i32
    %eq3A_11 = arith.constant 0 : i32
    %eq3A_12 = arith.cmpi eq, %arg0, %eq3A_11 : i32
    %and3A = arith.andi %eq3A_10, %eq3A_12 : i1
    %convert_element_type3A_13 = arith.extui %and3A : i1 to i32
    %cond3A_14 = arith.constant 0 : i32
    %cond3A_15 = arith.cmpi ne, %convert_element_type3A_13, %cond3A_14 : i32
    scf.if %cond3A_15 {
      "tpu.region"() ({
        %run_scoped3A = tpu.sem_alloc : memref<!tpu.dma_semaphore, #tpu.memory_space<semaphore_mem>>
        tpu.enqueue_dma source(%arg9 : memref<10016x128xf32, #tpu.memory_space<vmem_shared>>) target(%arg5 : memref<10016x128xf32, #tpu.memory_space<hbm>>) target_semaphore(%run_scoped3A : memref<!tpu.dma_semaphore, #tpu.memory_space<semaphore_mem>>)
        tpu.wait_dma2 semaphore(%run_scoped3A : memref<!tpu.dma_semaphore, #tpu.memory_space<semaphore_mem>>) src(%arg9 : memref<10016x128xf32, #tpu.memory_space<vmem_shared>>) dst(%arg5 : memref<10016x128xf32, #tpu.memory_space<hbm>>)
        tpu.yield
      }) : () -> ()
    } else {
    }
    %eq3A_16 = arith.constant 0 : i32
    %eq3A_17 = arith.cmpi eq, %arg1, %eq3A_16 : i32
    %eq3A_18 = arith.constant 1 : i32
    %eq3A_19 = arith.cmpi eq, %arg0, %eq3A_18 : i32
    %and3A_20 = arith.andi %eq3A_17, %eq3A_19 : i1
    %convert_element_type3A_21 = arith.extui %and3A_20 : i1 to i32
    %cond3A_22 = arith.constant 0 : i32
    %cond3A_23 = arith.cmpi ne, %convert_element_type3A_21, %cond3A_22 : i32
    scf.if %cond3A_23 {
      "tpu.region"() ({
        %run_scoped3A = tpu.sem_alloc : memref<!tpu.dma_semaphore, #tpu.memory_space<semaphore_mem>>
        tpu.enqueue_dma source(%arg9 : memref<10016x128xf32, #tpu.memory_space<vmem_shared>>) target(%arg6 : memref<10016x128xf32, #tpu.memory_space<hbm>>) target_semaphore(%run_scoped3A : memref<!tpu.dma_semaphore, #tpu.memory_space<semaphore_mem>>)
        tpu.wait_dma2 semaphore(%run_scoped3A : memref<!tpu.dma_semaphore, #tpu.memory_space<semaphore_mem>>) src(%arg9 : memref<10016x128xf32, #tpu.memory_space<vmem_shared>>) dst(%arg6 : memref<10016x128xf32, #tpu.memory_space<hbm>>)
        tpu.yield
      }) : () -> ()
    } else {
    }
    return
  }
}

#map = affine_map<(d0, d1) -> (0, 0)>
#map1 = affine_map<(d0, d1) -> (0, 0, 0)>
module attributes {stable_mosaic.version = 14 : i64} {
  func.func @edge_pass(%arg0: i32, %arg1: i32, %arg2: memref<10000x128xf32, #tpu.memory_space<hbm>>, %arg3: memref<32x79x128xi32, #tpu.memory_space<hbm>>, %arg4: memref<32x79x128xi32, #tpu.memory_space<hbm>>, %arg5: memref<10016x128xf32, #tpu.memory_space<hbm>>, %arg6: memref<10016x128xf32, #tpu.memory_space<hbm>>, %arg7: memref<10016x128xf32, #tpu.memory_space<hbm>>, %arg8: memref<79x128xi32, #tpu.memory_space<vmem>>, %arg9: memref<79x128xi32, #tpu.memory_space<vmem>>, %arg10: memref<128x128xf32, #tpu.memory_space<vmem>>, %arg11: memref<10016x128xf32, #tpu.memory_space<vmem_shared>>, %arg12: memref<!tpu.dma_semaphore, #tpu.memory_space<semaphore_mem>>) attributes {dimension_semantics = [#tpu.dimension_semantics<core_parallel>, #tpu.dimension_semantics<subcore_parallel>], iteration_bounds = array<i64: 2, 16>, scalar_prefetch = 0 : i64, scratch_operands = 5 : i64, tpu.core_type = #tpu.core_type<sc_vector_subcore>, window_params = [{transform_indices = #map}, {transform_indices = #map1}, {transform_indices = #map1}, {transform_indices = #map}, {transform_indices = #map}, {transform_indices = #map}]} {
    %eq3A = arith.constant 0 : i32
    %eq3A_0 = arith.cmpi eq, %arg1, %eq3A : i32
    %convert_element_type3A = arith.extui %eq3A_0 : i1 to i32
    %cond3A = arith.constant 0 : i32
    %cond3A_1 = arith.cmpi ne, %convert_element_type3A, %cond3A : i32
    scf.if %cond3A_1 {
      "tpu.region"() ({
        %run_scoped3A = tpu.sem_alloc : memref<!tpu.dma_semaphore, #tpu.memory_space<semaphore_mem>>
        tpu.enqueue_dma source(%arg5 : memref<10016x128xf32, #tpu.memory_space<hbm>>) target(%arg11 : memref<10016x128xf32, #tpu.memory_space<vmem_shared>>) target_semaphore(%run_scoped3A : memref<!tpu.dma_semaphore, #tpu.memory_space<semaphore_mem>>)
        tpu.wait_dma2 semaphore(%run_scoped3A : memref<!tpu.dma_semaphore, #tpu.memory_space<semaphore_mem>>) src(%arg5 : memref<10016x128xf32, #tpu.memory_space<hbm>>) dst(%arg11 : memref<10016x128xf32, #tpu.memory_space<vmem_shared>>)
        tpu.yield
      }) : () -> ()
    } else {
    }
    %barrier3A = arith.constant 0 : index
    tpu.barrier barrier_id(%barrier3A)
    %mul3A = arith.constant 16 : i32
    %mul3A_2 = arith.muli %arg0, %mul3A : i32
    %add3A = arith.addi %mul3A_2, %arg1 : i32
    "tpu.region"() ({
      %run_scoped3A = tpu.sem_alloc : memref<!tpu.dma_semaphore, #tpu.memory_space<semaphore_mem>>
      %dma_start3A = arith.constant 0 : i32
      %dma_start3A_24 = arith.constant 0 : i32
      %dma_start3A_25 = tpu.memref_slice %arg3[%add3A, %dma_start3A, %dma_start3A_24] : memref<32x79x128xi32, #tpu.memory_space<hbm>> -> memref<1x79x128xi32, #tpu.memory_space<hbm>>
      %dma_start3A_26 = tpu.memref_squeeze %dma_start3A_25 : memref<1x79x128xi32, #tpu.memory_space<hbm>> -> memref<79x128xi32, #tpu.memory_space<hbm>>
      %dma_start3A_27 = arith.constant 0 : i32
      %dma_start3A_28 = arith.constant 0 : i32
      %dma_start3A_29 = tpu.memref_slice %arg3[%add3A, %dma_start3A_27, %dma_start3A_28] : memref<32x79x128xi32, #tpu.memory_space<hbm>> -> memref<1x79x128xi32, #tpu.memory_space<hbm>>
      %dma_start3A_30 = tpu.memref_squeeze %dma_start3A_29 : memref<1x79x128xi32, #tpu.memory_space<hbm>> -> memref<79x128xi32, #tpu.memory_space<hbm>>
      tpu.enqueue_dma source(%dma_start3A_30 : memref<79x128xi32, #tpu.memory_space<hbm>>) target(%arg8 : memref<79x128xi32, #tpu.memory_space<vmem>>) target_semaphore(%run_scoped3A : memref<!tpu.dma_semaphore, #tpu.memory_space<semaphore_mem>>)
      %dma_wait3A = arith.constant 0 : i32
      %dma_wait3A_31 = arith.constant 0 : i32
      %dma_wait3A_32 = tpu.memref_slice %arg3[%add3A, %dma_wait3A, %dma_wait3A_31] : memref<32x79x128xi32, #tpu.memory_space<hbm>> -> memref<1x79x128xi32, #tpu.memory_space<hbm>>
      %dma_wait3A_33 = tpu.memref_squeeze %dma_wait3A_32 : memref<1x79x128xi32, #tpu.memory_space<hbm>> -> memref<79x128xi32, #tpu.memory_space<hbm>>
      %dma_wait3A_34 = arith.constant 0 : i32
      %dma_wait3A_35 = arith.constant 0 : i32
      %dma_wait3A_36 = tpu.memref_slice %arg3[%add3A, %dma_wait3A_34, %dma_wait3A_35] : memref<32x79x128xi32, #tpu.memory_space<hbm>> -> memref<1x79x128xi32, #tpu.memory_space<hbm>>
      %dma_wait3A_37 = tpu.memref_squeeze %dma_wait3A_36 : memref<1x79x128xi32, #tpu.memory_space<hbm>> -> memref<79x128xi32, #tpu.memory_space<hbm>>
      tpu.wait_dma2 semaphore(%run_scoped3A : memref<!tpu.dma_semaphore, #tpu.memory_space<semaphore_mem>>) src(%dma_wait3A_37 : memref<79x128xi32, #tpu.memory_space<hbm>>) dst(%arg8 : memref<79x128xi32, #tpu.memory_space<vmem>>)
      tpu.yield
    }) : () -> ()
    "tpu.region"() ({
      %run_scoped3A = tpu.sem_alloc : memref<!tpu.dma_semaphore, #tpu.memory_space<semaphore_mem>>
      %dma_start3A = arith.constant 0 : i32
      %dma_start3A_24 = arith.constant 0 : i32
      %dma_start3A_25 = tpu.memref_slice %arg4[%add3A, %dma_start3A, %dma_start3A_24] : memref<32x79x128xi32, #tpu.memory_space<hbm>> -> memref<1x79x128xi32, #tpu.memory_space<hbm>>
      %dma_start3A_26 = tpu.memref_squeeze %dma_start3A_25 : memref<1x79x128xi32, #tpu.memory_space<hbm>> -> memref<79x128xi32, #tpu.memory_space<hbm>>
      %dma_start3A_27 = arith.constant 0 : i32
      %dma_start3A_28 = arith.constant 0 : i32
      %dma_start3A_29 = tpu.memref_slice %arg4[%add3A, %dma_start3A_27, %dma_start3A_28] : memref<32x79x128xi32, #tpu.memory_space<hbm>> -> memref<1x79x128xi32, #tpu.memory_space<hbm>>
      %dma_start3A_30 = tpu.memref_squeeze %dma_start3A_29 : memref<1x79x128xi32, #tpu.memory_space<hbm>> -> memref<79x128xi32, #tpu.memory_space<hbm>>
      tpu.enqueue_dma source(%dma_start3A_30 : memref<79x128xi32, #tpu.memory_space<hbm>>) target(%arg9 : memref<79x128xi32, #tpu.memory_space<vmem>>) target_semaphore(%run_scoped3A : memref<!tpu.dma_semaphore, #tpu.memory_space<semaphore_mem>>)
      %dma_wait3A = arith.constant 0 : i32
      %dma_wait3A_31 = arith.constant 0 : i32
      %dma_wait3A_32 = tpu.memref_slice %arg4[%add3A, %dma_wait3A, %dma_wait3A_31] : memref<32x79x128xi32, #tpu.memory_space<hbm>> -> memref<1x79x128xi32, #tpu.memory_space<hbm>>
      %dma_wait3A_33 = tpu.memref_squeeze %dma_wait3A_32 : memref<1x79x128xi32, #tpu.memory_space<hbm>> -> memref<79x128xi32, #tpu.memory_space<hbm>>
      %dma_wait3A_34 = arith.constant 0 : i32
      %dma_wait3A_35 = arith.constant 0 : i32
      %dma_wait3A_36 = tpu.memref_slice %arg4[%add3A, %dma_wait3A_34, %dma_wait3A_35] : memref<32x79x128xi32, #tpu.memory_space<hbm>> -> memref<1x79x128xi32, #tpu.memory_space<hbm>>
      %dma_wait3A_37 = tpu.memref_squeeze %dma_wait3A_36 : memref<1x79x128xi32, #tpu.memory_space<hbm>> -> memref<79x128xi32, #tpu.memory_space<hbm>>
      tpu.wait_dma2 semaphore(%run_scoped3A : memref<!tpu.dma_semaphore, #tpu.memory_space<semaphore_mem>>) src(%dma_wait3A_37 : memref<79x128xi32, #tpu.memory_space<hbm>>) dst(%arg9 : memref<79x128xi32, #tpu.memory_space<vmem>>)
      tpu.yield
    }) : () -> ()
    %scan3A = arith.constant 0 : i32
    %scan3A_3 = arith.constant 0 : i32
    %scan3A_4 = arith.constant 79 : i32
    %scan3A_5 = arith.addi %scan3A_3, %scan3A_4 : i32
    %scan3A_6 = arith.constant 1 : i32
    scf.for %scan3A_24 = %scan3A_3 to %scan3A_5 step %scan3A_6  : i32 {
      %dma_start3A = arith.constant 0 : i32
      %dma_start3A_25 = tpu.memref_slice %arg8[%scan3A_24, %dma_start3A] : memref<79x128xi32, #tpu.memory_space<vmem>> -> memref<1x128xi32, #tpu.memory_space<vmem>>
      %dma_start3A_26 = tpu.memref_squeeze %dma_start3A_25 : memref<1x128xi32, #tpu.memory_space<vmem>> -> memref<128xi32, #tpu.memory_space<vmem>>
      %dma_start3A_27 = arith.constant 0 : i32
      %dma_start3A_28 = arith.constant 0 : i32
      %dma_start3A_29 = tpu.memref_slice %arg2[%dma_start3A_27, %dma_start3A_28] : memref<10000x128xf32, #tpu.memory_space<hbm>> -> memref<10000x128xf32, #tpu.memory_space<hbm>>
      tpu.enqueue_indirect_dma source(%dma_start3A_29 : memref<10000x128xf32, #tpu.memory_space<hbm>>) target(%arg10 : memref<128x128xf32, #tpu.memory_space<vmem>>) offsets(%dma_start3A_26 : memref<128xi32, #tpu.memory_space<vmem>>) semaphore(%arg12 : memref<!tpu.dma_semaphore, #tpu.memory_space<semaphore_mem>>)
      %dma_wait3A = arith.constant 0 : i32
      %dma_wait3A_30 = tpu.memref_slice %arg8[%scan3A_24, %dma_wait3A] : memref<79x128xi32, #tpu.memory_space<vmem>> -> memref<1x128xi32, #tpu.memory_space<vmem>>
      %dma_wait3A_31 = tpu.memref_squeeze %dma_wait3A_30 : memref<1x128xi32, #tpu.memory_space<vmem>> -> memref<128xi32, #tpu.memory_space<vmem>>
      %dma_wait3A_32 = arith.constant 0 : i32
      %dma_wait3A_33 = arith.constant 0 : i32
      %dma_wait3A_34 = tpu.memref_slice %arg2[%dma_wait3A_32, %dma_wait3A_33] : memref<10000x128xf32, #tpu.memory_space<hbm>> -> memref<10000x128xf32, #tpu.memory_space<hbm>>
      tpu.wait_indirect_dma semaphore(%arg12 : memref<!tpu.dma_semaphore, #tpu.memory_space<semaphore_mem>>) src(%dma_wait3A_34 : memref<10000x128xf32, #tpu.memory_space<hbm>>) dst(%arg10 : memref<128x128xf32, #tpu.memory_space<vmem>>)
      "tpu.region"() ({
        %run_scoped3A = tpu.sem_alloc : memref<!tpu.dma_semaphore, #tpu.memory_space<semaphore_mem>>
        %dma_start3A_35 = arith.constant 0 : i32
        %dma_start3A_36 = tpu.memref_slice %arg9[%scan3A_24, %dma_start3A_35] : memref<79x128xi32, #tpu.memory_space<vmem>> -> memref<1x128xi32, #tpu.memory_space<vmem>>
        %dma_start3A_37 = tpu.memref_squeeze %dma_start3A_36 : memref<1x128xi32, #tpu.memory_space<vmem>> -> memref<128xi32, #tpu.memory_space<vmem>>
        %dma_start3A_38 = arith.constant 0 : i32
        %dma_start3A_39 = arith.constant 0 : i32
        %dma_start3A_40 = tpu.memref_slice %arg11[%dma_start3A_38, %dma_start3A_39] : memref<10016x128xf32, #tpu.memory_space<vmem_shared>> -> memref<10016x128xf32, #tpu.memory_space<vmem_shared>>
        tpu.enqueue_indirect_dma source(%arg10 : memref<128x128xf32, #tpu.memory_space<vmem>>) target(%dma_start3A_40 : memref<10016x128xf32, #tpu.memory_space<vmem_shared>>) offsets(%dma_start3A_37 : memref<128xi32, #tpu.memory_space<vmem>>) semaphore(%run_scoped3A : memref<!tpu.dma_semaphore, #tpu.memory_space<semaphore_mem>>) {add = true}
        %dma_wait3A_41 = arith.constant 0 : i32
        %dma_wait3A_42 = tpu.memref_slice %arg9[%scan3A_24, %dma_wait3A_41] : memref<79x128xi32, #tpu.memory_space<vmem>> -> memref<1x128xi32, #tpu.memory_space<vmem>>
        %dma_wait3A_43 = tpu.memref_squeeze %dma_wait3A_42 : memref<1x128xi32, #tpu.memory_space<vmem>> -> memref<128xi32, #tpu.memory_space<vmem>>
        %dma_wait3A_44 = arith.constant 0 : i32
        %dma_wait3A_45 = arith.constant 0 : i32
        %dma_wait3A_46 = tpu.memref_slice %arg11[%dma_wait3A_44, %dma_wait3A_45] : memref<10016x128xf32, #tpu.memory_space<vmem_shared>> -> memref<10016x128xf32, #tpu.memory_space<vmem_shared>>
        tpu.wait_indirect_dma semaphore(%run_scoped3A : memref<!tpu.dma_semaphore, #tpu.memory_space<semaphore_mem>>) src(%arg10 : memref<128x128xf32, #tpu.memory_space<vmem>>) dst(%dma_wait3A_46 : memref<10016x128xf32, #tpu.memory_space<vmem_shared>>)
        tpu.yield
      }) : () -> ()
    }
    %scan3A_7 = arith.constant 79 : i32
    %barrier3A_8 = arith.constant 0 : index
    tpu.barrier barrier_id(%barrier3A_8)
    %eq3A_9 = arith.constant 0 : i32
    %eq3A_10 = arith.cmpi eq, %arg1, %eq3A_9 : i32
    %eq3A_11 = arith.constant 0 : i32
    %eq3A_12 = arith.cmpi eq, %arg0, %eq3A_11 : i32
    %and3A = arith.andi %eq3A_10, %eq3A_12 : i1
    %convert_element_type3A_13 = arith.extui %and3A : i1 to i32
    %cond3A_14 = arith.constant 0 : i32
    %cond3A_15 = arith.cmpi ne, %convert_element_type3A_13, %cond3A_14 : i32
    scf.if %cond3A_15 {
      "tpu.region"() ({
        %run_scoped3A = tpu.sem_alloc : memref<!tpu.dma_semaphore, #tpu.memory_space<semaphore_mem>>
        tpu.enqueue_dma source(%arg11 : memref<10016x128xf32, #tpu.memory_space<vmem_shared>>) target(%arg6 : memref<10016x128xf32, #tpu.memory_space<hbm>>) target_semaphore(%run_scoped3A : memref<!tpu.dma_semaphore, #tpu.memory_space<semaphore_mem>>)
        tpu.wait_dma2 semaphore(%run_scoped3A : memref<!tpu.dma_semaphore, #tpu.memory_space<semaphore_mem>>) src(%arg11 : memref<10016x128xf32, #tpu.memory_space<vmem_shared>>) dst(%arg6 : memref<10016x128xf32, #tpu.memory_space<hbm>>)
        tpu.yield
      }) : () -> ()
    } else {
    }
    %eq3A_16 = arith.constant 0 : i32
    %eq3A_17 = arith.cmpi eq, %arg1, %eq3A_16 : i32
    %eq3A_18 = arith.constant 1 : i32
    %eq3A_19 = arith.cmpi eq, %arg0, %eq3A_18 : i32
    %and3A_20 = arith.andi %eq3A_17, %eq3A_19 : i1
    %convert_element_type3A_21 = arith.extui %and3A_20 : i1 to i32
    %cond3A_22 = arith.constant 0 : i32
    %cond3A_23 = arith.cmpi ne, %convert_element_type3A_21, %cond3A_22 : i32
    scf.if %cond3A_23 {
      "tpu.region"() ({
        %run_scoped3A = tpu.sem_alloc : memref<!tpu.dma_semaphore, #tpu.memory_space<semaphore_mem>>
        tpu.enqueue_dma source(%arg11 : memref<10016x128xf32, #tpu.memory_space<vmem_shared>>) target(%arg7 : memref<10016x128xf32, #tpu.memory_space<hbm>>) target_semaphore(%run_scoped3A : memref<!tpu.dma_semaphore, #tpu.memory_space<semaphore_mem>>)
        tpu.wait_dma2 semaphore(%run_scoped3A : memref<!tpu.dma_semaphore, #tpu.memory_space<semaphore_mem>>) src(%arg11 : memref<10016x128xf32, #tpu.memory_space<vmem_shared>>) dst(%arg7 : memref<10016x128xf32, #tpu.memory_space<hbm>>)
        tpu.yield
      }) : () -> ()
    } else {
    }
    return
  }
}

module attributes {stable_mosaic.version = 14 : i64} {
  func.func @_enc_body(%arg0: i32, %arg1: memref<2000x128xf32, #tpu.memory_space<vmem>>, %arg2: memref<128x128xf32, #tpu.memory_space<vmem>>, %arg3: memref<1x128xf32, #tpu.memory_space<vmem>>, %arg4: memref<2000x128xf32, #tpu.memory_space<vmem>>) attributes {dimension_semantics = [#tpu.dimension_semantics<arbitrary>], iteration_bounds = array<i64: 5>, scalar_prefetch = 0 : i64, scratch_operands = 0 : i64, tpu.core_type = #tpu.core_type<tc>, window_params = [{transform_indices = @transform_0, window_bounds = array<i64: 2000, 128>}, {pipeline_mode = #tpu.pipeline_mode<synchronous>, transform_indices = @transform_1, window_bounds = array<i64: 128, 128>}, {pipeline_mode = #tpu.pipeline_mode<synchronous>, transform_indices = @transform_2, window_bounds = array<i64: 1, 128>}, {transform_indices = @transform_3, window_bounds = array<i64: 2000, 128>}]} {
    %get3A = arith.constant 0 : index
    %get3A_0 = arith.constant 0 : index
    %get3A_1 = vector.load %arg1[%get3A, %get3A_0] : memref<2000x128xf32, #tpu.memory_space<vmem>>, vector<2000x128xf32>
    %get3A_2 = arith.constant 0 : index
    %get3A_3 = arith.constant 0 : index
    %get3A_4 = vector.load %arg2[%get3A_2, %get3A_3] : memref<128x128xf32, #tpu.memory_space<vmem>>, vector<128x128xf32>
    %dot_general3A = arith.constant dense<0.000000e+00> : vector<2000x128xf32>
    %dot_general3A_5 = tpu.matmul %get3A_1, %get3A_4, %dot_general3A {dimension_numbers = #tpu.dot_dimension_numbers<[1], [0], [0], [1], [0, 0, 1, 1], [], []>, transpose_lhs_hint = false} : vector<2000x128xf32>, vector<128x128xf32>, vector<2000x128xf32> -> vector<2000x128xf32>
    %get3A_6 = arith.constant 0 : index
    %get3A_7 = arith.constant 0 : index
    %get3A_8 = vector.load %arg3[%get3A_6, %get3A_7] : memref<1x128xf32, #tpu.memory_space<vmem>>, vector<1x128xf32>
    %add3A = vector.broadcast %get3A_8 : vector<1x128xf32> to vector<2000x128xf32>
    %add3A_9 = arith.addf %dot_general3A_5, %add3A : vector<2000x128xf32>
    %swap3A = arith.constant 0 : index
    %swap3A_10 = arith.constant 0 : index
    %swap3A_11 = vector.load %arg4[%swap3A, %swap3A_10] : memref<2000x128xf32, #tpu.memory_space<vmem>>, vector<2000x128xf32>
    tpu.vector_store %arg4[%swap3A, %swap3A_10], %add3A_9 {strides = array<i32>} : memref<2000x128xf32, #tpu.memory_space<vmem>>, vector<2000x128xf32>,
    return
  }
  func.func @transform_0(%arg0: i32) -> (i32, i32) {
    %c0_i32 = arith.constant 0 : i32
    %c0_i32_0 = arith.constant 0 : i32
    return %arg0, %c0_i32 : i32, i32
  }
  func.func @transform_1(%arg0: i32) -> (i32, i32) {
    %c0_i32 = arith.constant 0 : i32
    %c0_i32_0 = arith.constant 0 : i32
    %c0_i32_1 = arith.constant 0 : i32
    return %c0_i32, %c0_i32_0 : i32, i32
  }
  func.func @transform_2(%arg0: i32) -> (i32, i32) {
    %c0_i32 = arith.constant 0 : i32
    %c0_i32_0 = arith.constant 0 : i32
    %c0_i32_1 = arith.constant 0 : i32
    return %c0_i32, %c0_i32_0 : i32, i32
  }
  func.func @transform_3(%arg0: i32) -> (i32, i32) {
    %c0_i32 = arith.constant 0 : i32
    %c0_i32_0 = arith.constant 0 : i32
    return %arg0, %c0_i32 : i32, i32
  }
}

module attributes {stable_mosaic.version = 14 : i64} {
  func.func @_mm_body(%arg0: i32, %arg1: memref<2000x128xf32, #tpu.memory_space<vmem>>, %arg2: memref<2000x128xf32, #tpu.memory_space<vmem>>, %arg3: memref<2000x128xf32, #tpu.memory_space<vmem>>, %arg4: memref<2000x128xf32, #tpu.memory_space<vmem>>, %arg5: memref<128x128xf32, #tpu.memory_space<vmem>>, %arg6: memref<1x128xf32, #tpu.memory_space<vmem>>, %arg7: memref<2000x128xf32, #tpu.memory_space<vmem>>, %arg8: memref<8x128xf32, #tpu.memory_space<vmem>>) attributes {dimension_semantics = [#tpu.dimension_semantics<arbitrary>], iteration_bounds = array<i64: 5>, scalar_prefetch = 0 : i64, scratch_operands = 0 : i64, tpu.core_type = #tpu.core_type<tc>, window_params = [{transform_indices = @transform_0, window_bounds = array<i64: 2000, 128>}, {transform_indices = @transform_1, window_bounds = array<i64: 2000, 128>}, {transform_indices = @transform_2, window_bounds = array<i64: 2000, 128>}, {transform_indices = @transform_3, window_bounds = array<i64: 2000, 128>}, {pipeline_mode = #tpu.pipeline_mode<synchronous>, transform_indices = @transform_4, window_bounds = array<i64: 128, 128>}, {pipeline_mode = #tpu.pipeline_mode<synchronous>, transform_indices = @transform_5, window_bounds = array<i64: 1, 128>}, {transform_indices = @transform_6, window_bounds = array<i64: 2000, 128>}, {pipeline_mode = #tpu.pipeline_mode<synchronous>, transform_indices = @transform_7, window_bounds = array<i64: 8, 128>}]} {
    %get3A = arith.constant 0 : index
    %get3A_0 = arith.constant 0 : index
    %get3A_1 = vector.load %arg3[%get3A, %get3A_0] : memref<2000x128xf32, #tpu.memory_space<vmem>>, vector<2000x128xf32>
    %slice3A = vector.extract_strided_slice %get3A_1 {offsets = [0, 0], sizes = [2000, 1], strides = [1, 1]} : vector<2000x128xf32> to vector<2000x1xf32>
    %get3A_2 = arith.constant 0 : index
    %get3A_3 = arith.constant 0 : index
    %get3A_4 = vector.load %arg4[%get3A_2, %get3A_3] : memref<2000x128xf32, #tpu.memory_space<vmem>>, vector<2000x128xf32>
    %slice3A_5 = vector.extract_strided_slice %get3A_4 {offsets = [0, 0], sizes = [2000, 1], strides = [1, 1]} : vector<2000x128xf32> to vector<2000x1xf32>
    %add3A = arith.addf %slice3A, %slice3A_5 : vector<2000x1xf32>
    %max3A = arith.constant 1.000000e+00 : f32
    %max3A_6 = vector.broadcast %max3A : f32 to vector<2000x1xf32>
    %max3A_7 = arith.maximumf %add3A, %max3A_6 : vector<2000x1xf32>
    %get3A_8 = arith.constant 0 : index
    %get3A_9 = arith.constant 0 : index
    %get3A_10 = vector.load %arg1[%get3A_8, %get3A_9] : memref<2000x128xf32, #tpu.memory_space<vmem>>, vector<2000x128xf32>
    %get3A_11 = arith.constant 0 : index
    %get3A_12 = arith.constant 0 : index
    %get3A_13 = vector.load %arg2[%get3A_11, %get3A_12] : memref<2000x128xf32, #tpu.memory_space<vmem>>, vector<2000x128xf32>
    %add3A_14 = arith.addf %get3A_10, %get3A_13 : vector<2000x128xf32>
    %div3A = vector.broadcast %max3A_7 : vector<2000x1xf32> to vector<2000x128xf32>
    %div3A_15 = arith.divf %add3A_14, %div3A : vector<2000x128xf32>
    %get3A_16 = arith.constant 0 : index
    %get3A_17 = arith.constant 0 : index
    %get3A_18 = vector.load %arg5[%get3A_16, %get3A_17] : memref<128x128xf32, #tpu.memory_space<vmem>>, vector<128x128xf32>
    %dot_general3A = arith.constant dense<0.000000e+00> : vector<2000x128xf32>
    %dot_general3A_19 = tpu.matmul %div3A_15, %get3A_18, %dot_general3A {dimension_numbers = #tpu.dot_dimension_numbers<[1], [0], [0], [1], [0, 0, 1, 1], [], []>, transpose_lhs_hint = false} : vector<2000x128xf32>, vector<128x128xf32>, vector<2000x128xf32> -> vector<2000x128xf32>
    %get3A_20 = arith.constant 0 : index
    %get3A_21 = arith.constant 0 : index
    %get3A_22 = vector.load %arg6[%get3A_20, %get3A_21] : memref<1x128xf32, #tpu.memory_space<vmem>>, vector<1x128xf32>
    %add3A_23 = vector.broadcast %get3A_22 : vector<1x128xf32> to vector<2000x128xf32>
    %add3A_24 = arith.addf %dot_general3A_19, %add3A_23 : vector<2000x128xf32>
    %swap3A = arith.constant 0 : index
    %swap3A_25 = arith.constant 0 : index
    %swap3A_26 = vector.load %arg7[%swap3A, %swap3A_25] : memref<2000x128xf32, #tpu.memory_space<vmem>>, vector<2000x128xf32>
    tpu.vector_store %arg7[%swap3A, %swap3A_25], %add3A_24 {strides = array<i32>} : memref<2000x128xf32, #tpu.memory_space<vmem>>, vector<2000x128xf32>,
    %reduce_sum3A = arith.constant dense<0.000000e+00> : vector<128xf32>
    %reduce_sum3A_27 = vector.multi_reduction <add>, %add3A_24, %reduce_sum3A [0] : vector<2000x128xf32> to vector<128xf32>
    %broadcast_in_dim3A = vector.shape_cast %reduce_sum3A_27 : vector<128xf32> to vector<1x128xf32>
    %mul3A = arith.mulf %add3A_24, %add3A_24 : vector<2000x128xf32>
    %reduce_sum3A_28 = arith.constant dense<0.000000e+00> : vector<128xf32>
    %reduce_sum3A_29 = vector.multi_reduction <add>, %mul3A, %reduce_sum3A_28 [0] : vector<2000x128xf32> to vector<128xf32>
    %broadcast_in_dim3A_30 = vector.shape_cast %reduce_sum3A_29 : vector<128xf32> to vector<1x128xf32>
    %broadcast_in_dim3A_31 = arith.constant 0.000000e+00 : f32
    %broadcast_in_dim3A_32 = vector.broadcast %broadcast_in_dim3A_31 : f32 to vector<6x128xf32>
    %concatenate3A = tpu.concatenate %broadcast_in_dim3A, %broadcast_in_dim3A_30, %broadcast_in_dim3A_32 in 0 : vector<1x128xf32>, vector<1x128xf32>, vector<6x128xf32> -> vector<8x128xf32>
    %eq3A = arith.constant 0 : i32
    %eq3A_33 = arith.cmpi eq, %arg0, %eq3A : i32
    %get3A_34 = arith.constant 0 : index
    %get3A_35 = arith.constant 0 : index
    %get3A_36 = vector.load %arg8[%get3A_34, %get3A_35] : memref<8x128xf32, #tpu.memory_space<vmem>>, vector<8x128xf32>
    %add3A_37 = arith.addf %get3A_36, %concatenate3A : vector<8x128xf32>
    %select_n3A = arith.select %eq3A_33, %concatenate3A, %add3A_37 : vector<8x128xf32>
    %swap3A_38 = arith.constant 0 : index
    %swap3A_39 = arith.constant 0 : index
    %swap3A_40 = vector.load %arg8[%swap3A_38, %swap3A_39] : memref<8x128xf32, #tpu.memory_space<vmem>>, vector<8x128xf32>
    tpu.vector_store %arg8[%swap3A_38, %swap3A_39], %select_n3A {strides = array<i32>} : memref<8x128xf32, #tpu.memory_space<vmem>>, vector<8x128xf32>,
    return
  }
  func.func @transform_0(%arg0: i32) -> (i32, i32) {
    %c0_i32 = arith.constant 0 : i32
    %c0_i32_0 = arith.constant 0 : i32
    return %arg0, %c0_i32 : i32, i32
  }
  func.func @transform_1(%arg0: i32) -> (i32, i32) {
    %c0_i32 = arith.constant 0 : i32
    %c0_i32_0 = arith.constant 0 : i32
    return %arg0, %c0_i32 : i32, i32
  }
  func.func @transform_2(%arg0: i32) -> (i32, i32) {
    %c0_i32 = arith.constant 0 : i32
    %c0_i32_0 = arith.constant 0 : i32
    return %arg0, %c0_i32 : i32, i32
  }
  func.func @transform_3(%arg0: i32) -> (i32, i32) {
    %c0_i32 = arith.constant 0 : i32
    %c0_i32_0 = arith.constant 0 : i32
    return %arg0, %c0_i32 : i32, i32
  }
  func.func @transform_4(%arg0: i32) -> (i32, i32) {
    %c0_i32 = arith.constant 0 : i32
    %c0_i32_0 = arith.constant 0 : i32
    %c0_i32_1 = arith.constant 0 : i32
    return %c0_i32, %c0_i32_0 : i32, i32
  }
  func.func @transform_5(%arg0: i32) -> (i32, i32) {
    %c0_i32 = arith.constant 0 : i32
    %c0_i32_0 = arith.constant 0 : i32
    %c0_i32_1 = arith.constant 0 : i32
    return %c0_i32, %c0_i32_0 : i32, i32
  }
  func.func @transform_6(%arg0: i32) -> (i32, i32) {
    %c0_i32 = arith.constant 0 : i32
    %c0_i32_0 = arith.constant 0 : i32
    return %arg0, %c0_i32 : i32, i32
  }
  func.func @transform_7(%arg0: i32) -> (i32, i32) {
    %c0_i32 = arith.constant 0 : i32
    %c0_i32_0 = arith.constant 0 : i32
    %c0_i32_1 = arith.constant 0 : i32
    return %c0_i32, %c0_i32_0 : i32, i32
  }
}

module attributes {stable_mosaic.version = 14 : i64} {
  func.func @_bn_body(%arg0: i32, %arg1: memref<2000x128xf32, #tpu.memory_space<vmem>>, %arg2: memref<2000x128xf32, #tpu.memory_space<vmem>>, %arg3: memref<8x128xf32, #tpu.memory_space<vmem>>, %arg4: memref<1x128xf32, #tpu.memory_space<vmem>>, %arg5: memref<1x128xf32, #tpu.memory_space<vmem>>, %arg6: memref<2000x128xf32, #tpu.memory_space<vmem>>) attributes {dimension_semantics = [#tpu.dimension_semantics<arbitrary>], iteration_bounds = array<i64: 5>, scalar_prefetch = 0 : i64, scratch_operands = 0 : i64, tpu.core_type = #tpu.core_type<tc>, window_params = [{transform_indices = @transform_0, window_bounds = array<i64: 2000, 128>}, {transform_indices = @transform_1, window_bounds = array<i64: 2000, 128>}, {pipeline_mode = #tpu.pipeline_mode<synchronous>, transform_indices = @transform_2, window_bounds = array<i64: 8, 128>}, {pipeline_mode = #tpu.pipeline_mode<synchronous>, transform_indices = @transform_3, window_bounds = array<i64: 1, 128>}, {pipeline_mode = #tpu.pipeline_mode<synchronous>, transform_indices = @transform_4, window_bounds = array<i64: 1, 128>}, {transform_indices = @transform_5, window_bounds = array<i64: 2000, 128>}]} {
    %get3A = arith.constant 0 : index
    %get3A_0 = arith.constant 0 : index
    %get3A_1 = vector.load %arg3[%get3A, %get3A_0] : memref<8x128xf32, #tpu.memory_space<vmem>>, vector<1x128xf32>
    %div3A = arith.constant 1.000000e+04 : f32
    %div3A_2 = vector.broadcast %div3A : f32 to vector<1x128xf32>
    %div3A_3 = arith.divf %get3A_1, %div3A_2 : vector<1x128xf32>
    %get3A_4 = arith.constant 1 : index
    %get3A_5 = arith.constant 0 : index
    %get3A_6 = vector.load %arg3[%get3A_4, %get3A_5] : memref<8x128xf32, #tpu.memory_space<vmem>>, vector<1x128xf32>
    %div3A_7 = arith.constant 1.000000e+04 : f32
    %div3A_8 = vector.broadcast %div3A_7 : f32 to vector<1x128xf32>
    %div3A_9 = arith.divf %get3A_6, %div3A_8 : vector<1x128xf32>
    %mul3A = arith.mulf %div3A_3, %div3A_3 : vector<1x128xf32>
    %sub3A = arith.subf %div3A_9, %mul3A : vector<1x128xf32>
    %get3A_10 = arith.constant 0 : index
    %get3A_11 = arith.constant 0 : index
    %get3A_12 = vector.load %arg2[%get3A_10, %get3A_11] : memref<2000x128xf32, #tpu.memory_space<vmem>>, vector<2000x128xf32>
    %sub3A_13 = vector.broadcast %div3A_3 : vector<1x128xf32> to vector<2000x128xf32>
    %sub3A_14 = arith.subf %get3A_12, %sub3A_13 : vector<2000x128xf32>
    %add3A = arith.constant 9.99999974E-6 : f32
    %add3A_15 = vector.broadcast %add3A : f32 to vector<1x128xf32>
    %add3A_16 = arith.addf %sub3A, %add3A_15 : vector<1x128xf32>
    %rsqrt3A = math.rsqrt %add3A_16 : vector<1x128xf32>
    %mul3A_17 = vector.broadcast %rsqrt3A : vector<1x128xf32> to vector<2000x128xf32>
    %mul3A_18 = arith.mulf %sub3A_14, %mul3A_17 : vector<2000x128xf32>
    %get3A_19 = arith.constant 0 : index
    %get3A_20 = arith.constant 0 : index
    %get3A_21 = vector.load %arg4[%get3A_19, %get3A_20] : memref<1x128xf32, #tpu.memory_space<vmem>>, vector<1x128xf32>
    %mul3A_22 = vector.broadcast %get3A_21 : vector<1x128xf32> to vector<2000x128xf32>
    %mul3A_23 = arith.mulf %mul3A_18, %mul3A_22 : vector<2000x128xf32>
    %get3A_24 = arith.constant 0 : index
    %get3A_25 = arith.constant 0 : index
    %get3A_26 = vector.load %arg5[%get3A_24, %get3A_25] : memref<1x128xf32, #tpu.memory_space<vmem>>, vector<1x128xf32>
    %add3A_27 = vector.broadcast %get3A_26 : vector<1x128xf32> to vector<2000x128xf32>
    %add3A_28 = arith.addf %mul3A_23, %add3A_27 : vector<2000x128xf32>
    %get3A_29 = arith.constant 0 : index
    %get3A_30 = arith.constant 0 : index
    %get3A_31 = vector.load %arg1[%get3A_29, %get3A_30] : memref<2000x128xf32, #tpu.memory_space<vmem>>, vector<2000x128xf32>
    %max3A = arith.constant 0.000000e+00 : f32
    %max3A_32 = vector.broadcast %max3A : f32 to vector<2000x128xf32>
    %max3A_33 = arith.maximumf %add3A_28, %max3A_32 : vector<2000x128xf32>
    %add3A_34 = arith.addf %get3A_31, %max3A_33 : vector<2000x128xf32>
    %swap3A = arith.constant 0 : index
    %swap3A_35 = arith.constant 0 : index
    %swap3A_36 = vector.load %arg6[%swap3A, %swap3A_35] : memref<2000x128xf32, #tpu.memory_space<vmem>>, vector<2000x128xf32>
    tpu.vector_store %arg6[%swap3A, %swap3A_35], %add3A_34 {strides = array<i32>} : memref<2000x128xf32, #tpu.memory_space<vmem>>, vector<2000x128xf32>,
    return
  }
  func.func @transform_0(%arg0: i32) -> (i32, i32) {
    %c0_i32 = arith.constant 0 : i32
    %c0_i32_0 = arith.constant 0 : i32
    return %arg0, %c0_i32 : i32, i32
  }
  func.func @transform_1(%arg0: i32) -> (i32, i32) {
    %c0_i32 = arith.constant 0 : i32
    %c0_i32_0 = arith.constant 0 : i32
    return %arg0, %c0_i32 : i32, i32
  }
  func.func @transform_2(%arg0: i32) -> (i32, i32) {
    %c0_i32 = arith.constant 0 : i32
    %c0_i32_0 = arith.constant 0 : i32
    %c0_i32_1 = arith.constant 0 : i32
    return %c0_i32, %c0_i32_0 : i32, i32
  }
  func.func @transform_3(%arg0: i32) -> (i32, i32) {
    %c0_i32 = arith.constant 0 : i32
    %c0_i32_0 = arith.constant 0 : i32
    %c0_i32_1 = arith.constant 0 : i32
    return %c0_i32, %c0_i32_0 : i32, i32
  }
  func.func @transform_4(%arg0: i32) -> (i32, i32) {
    %c0_i32 = arith.constant 0 : i32
    %c0_i32_0 = arith.constant 0 : i32
    %c0_i32_1 = arith.constant 0 : i32
    return %c0_i32, %c0_i32_0 : i32, i32
  }
  func.func @transform_5(%arg0: i32) -> (i32, i32) {
    %c0_i32 = arith.constant 0 : i32
    %c0_i32_0 = arith.constant 0 : i32
    return %arg0, %c0_i32 : i32, i32
  }
}

module attributes {stable_mosaic.version = 14 : i64} {
  func.func @_out_body(%arg0: i32, %arg1: memref<2000x128xf32, #tpu.memory_space<vmem>>, %arg2: memref<128x128xf32, #tpu.memory_space<vmem>>, %arg3: memref<1x128xf32, #tpu.memory_space<vmem>>, %arg4: memref<1x128xf32, #tpu.memory_space<vmem>>, %arg5: memref<1x128xf32, #tpu.memory_space<vmem>>) attributes {dimension_semantics = [#tpu.dimension_semantics<arbitrary>], iteration_bounds = array<i64: 5>, scalar_prefetch = 0 : i64, scratch_operands = 1 : i64, tpu.core_type = #tpu.core_type<tc>, window_params = [{transform_indices = @transform_0, window_bounds = array<i64: 2000, 128>}, {pipeline_mode = #tpu.pipeline_mode<synchronous>, transform_indices = @transform_1, window_bounds = array<i64: 128, 128>}, {pipeline_mode = #tpu.pipeline_mode<synchronous>, transform_indices = @transform_2, window_bounds = array<i64: 1, 128>}, {pipeline_mode = #tpu.pipeline_mode<synchronous>, transform_indices = @transform_3, window_bounds = array<i64: 1, 128>}]} {
    %get3A = arith.constant 0 : index
    %get3A_0 = arith.constant 0 : index
    %get3A_1 = vector.load %arg1[%get3A, %get3A_0] : memref<2000x128xf32, #tpu.memory_space<vmem>>, vector<2000x128xf32>
    %reduce_sum3A = arith.constant dense<0.000000e+00> : vector<128xf32>
    %reduce_sum3A_2 = vector.multi_reduction <add>, %get3A_1, %reduce_sum3A [0] : vector<2000x128xf32> to vector<128xf32>
    %broadcast_in_dim3A = vector.shape_cast %reduce_sum3A_2 : vector<128xf32> to vector<1x128xf32>
    %eq3A = arith.constant 0 : i32
    %eq3A_3 = arith.cmpi eq, %arg0, %eq3A : i32
    %get3A_4 = arith.constant 0 : index
    %get3A_5 = arith.constant 0 : index
    %get3A_6 = vector.load %arg5[%get3A_4, %get3A_5] : memref<1x128xf32, #tpu.memory_space<vmem>>, vector<1x128xf32>
    %add3A = arith.addf %get3A_6, %broadcast_in_dim3A : vector<1x128xf32>
    %select_n3A = arith.select %eq3A_3, %broadcast_in_dim3A, %add3A : vector<1x128xf32>
    %swap3A = arith.constant 0 : index
    %swap3A_7 = arith.constant 0 : index
    %swap3A_8 = vector.load %arg5[%swap3A, %swap3A_7] : memref<1x128xf32, #tpu.memory_space<vmem>>, vector<1x128xf32>
    tpu.vector_store %arg5[%swap3A, %swap3A_7], %select_n3A {strides = array<i32>} : memref<1x128xf32, #tpu.memory_space<vmem>>, vector<1x128xf32>,
    %eq3A_9 = arith.constant 4 : i32
    %eq3A_10 = arith.cmpi eq, %arg0, %eq3A_9 : i32
    %convert_element_type3A = arith.extui %eq3A_10 : i1 to i32
    %cond3A = arith.constant 0 : i32
    %cond3A_11 = arith.cmpi ne, %convert_element_type3A, %cond3A : i32
    scf.if %cond3A_11 {
      %get3A_12 = arith.constant 0 : index
      %get3A_13 = arith.constant 0 : index
      %get3A_14 = vector.load %arg5[%get3A_12, %get3A_13] : memref<1x128xf32, #tpu.memory_space<vmem>>, vector<1x128xf32>
      %div3A = arith.constant 1.000000e+04 : f32
      %div3A_15 = vector.broadcast %div3A : f32 to vector<1x128xf32>
      %div3A_16 = arith.divf %get3A_14, %div3A_15 : vector<1x128xf32>
      %get3A_17 = arith.constant 0 : index
      %get3A_18 = arith.constant 0 : index
      %get3A_19 = vector.load %arg2[%get3A_17, %get3A_18] : memref<128x128xf32, #tpu.memory_space<vmem>>, vector<128x128xf32>
      %dot_general3A = arith.constant dense<0.000000e+00> : vector<1x128xf32>
      %dot_general3A_20 = tpu.matmul %div3A_16, %get3A_19, %dot_general3A {dimension_numbers = #tpu.dot_dimension_numbers<[1], [0], [0], [1], [0, 0, 1, 1], [], []>, transpose_lhs_hint = false} : vector<1x128xf32>, vector<128x128xf32>, vector<1x128xf32> -> vector<1x128xf32>
      %get3A_21 = arith.constant 0 : index
      %get3A_22 = arith.constant 0 : index
      %get3A_23 = vector.load %arg3[%get3A_21, %get3A_22] : memref<1x128xf32, #tpu.memory_space<vmem>>, vector<1x128xf32>
      %add3A_24 = arith.addf %dot_general3A_20, %get3A_23 : vector<1x128xf32>
      %swap3A_25 = arith.constant 0 : index
      %swap3A_26 = arith.constant 0 : index
      %swap3A_27 = vector.load %arg4[%swap3A_25, %swap3A_26] : memref<1x128xf32, #tpu.memory_space<vmem>>, vector<1x128xf32>
      tpu.vector_store %arg4[%swap3A_25, %swap3A_26], %add3A_24 {strides = array<i32>} : memref<1x128xf32, #tpu.memory_space<vmem>>, vector<1x128xf32>,
    } else {
    }
    return
  }
  func.func @transform_0(%arg0: i32) -> (i32, i32) {
    %c0_i32 = arith.constant 0 : i32
    %c0_i32_0 = arith.constant 0 : i32
    return %arg0, %c0_i32 : i32, i32
  }
  func.func @transform_1(%arg0: i32) -> (i32, i32) {
    %c0_i32 = arith.constant 0 : i32
    %c0_i32_0 = arith.constant 0 : i32
    %c0_i32_1 = arith.constant 0 : i32
    return %c0_i32, %c0_i32_0 : i32, i32
  }
  func.func @transform_2(%arg0: i32) -> (i32, i32) {
    %c0_i32 = arith.constant 0 : i32
    %c0_i32_0 = arith.constant 0 : i32
    %c0_i32_1 = arith.constant 0 : i32
    return %c0_i32, %c0_i32_0 : i32, i32
  }
  func.func @transform_3(%arg0: i32) -> (i32, i32) {
    %c0_i32 = arith.constant 0 : i32
    %c0_i32_0 = arith.constant 0 : i32
    %c0_i32_1 = arith.constant 0 : i32
    return %c0_i32, %c0_i32_0 : i32, i32
  }
}

</mosaic_0001>

<sc_bundles>
// kernel: kernel.17.cloned.1.call-start
scs
__scs_entry_jumppad:
0x0: {  	(pc) =	sbr.rel $0x88, $3  }
0x1: {  	(tag) =	ssettag $0x0;
	lr =	simm.s32 $0x1  }
0x2: {  	[smem:$0x3F97] =	sst lr;
	_ =	strace $0xD0000000  }
0x3: {  	_ = 	snop  }
0x4: {  	_ = 	snop  }
0x5: {  	_ = 	snop  }
0x6: {  	_ = 	snop  }
0x7: {  	_ = 	snop  }
__scs_overlays_trampoline_lowered:
0x8: {  	[smem:$0x3FA6] =	sst s0  }
0x9: {  	[smem:$0x3FA7] =	sst s1  }
0xa: {  	[smem:$0x3FA8] =	sst s2  }
0xb: {  	[smem:$0x3FA9] =	sst s3  }
0xc: {  	[smem:$0x3FAA] =	sst s4  }
0xd: {  	[smem:$0x3FAB] =	sst s5  }
0xe: {  	[smem:$0x3FAC] =	sst s6  }
0xf: {  	[smem:$0x3FAD] =	sst s7  }
0x10: {  	[smem:$0x3FAE] =	sst s8  }
0x11: {  	[smem:$0x3FAF] =	sst s9;
	s0 =	simm.s32 @!p0 $0x0  }
0x12: {  	s1 =	sld [smem:$0x3F95];
	s0 =	simm.s32 @p0 $0x1  }
0x13: {  	[smem:$0x3FB0] =	sst s0;
	s0 =	simm.s32 @!p1 $0x0  }
0x14: {  	s2 =	sld [smem:$0x3F94];
	s0 =	simm.s32 @p1 $0x1  }
0x15: {  	[smem:$0x3FB1] =	sst s0;
	s0 =	simm.s32 @!p2 $0x0  }
0x16: {  	s3 =	sld [smem:$0x3FDB];
	s0 =	simm.s32 @p2 $0x1  }
0x17: {  	s4 =	simm.s32 $0x1BF5;
	[smem:$0x3FB3] =	sst s0  }
0x18: {  	s0 =	sld [smem:$0x3F96];
	_ =	swait.ge [sflag:s4], $0x0  }
0x19: {  	s7 =	sld [smem:$0x3F97]  }
0x1a: {  	s8 =	sadd.s32 $0xFFFFE003, lr  }
0x1b: {  	s9 =	sadd.s32 $0xFFFFFEF7, lr;
	s5 =	simm.s32 $0xFFFFFFFF;
	p2 =	slt.u32 s8, $0xFFFFF086  }
0x1c: {  	p1 =	slt.u32 s9, $0xF7A;
	s5 =	simm.s32 @!p2 $0x0  }
0x1d: {  	s5 =	simm.s32 @p1 $0x1;
	p0 =	seq.s32 s7, s2  }
0x1e: {  	s7 =	smul.u32 @!p0 $0xF7A, s2;
	p2 =	seq.s32 @!p0 s5, $0x0  }
0x1f: {  	s9 =	smul.u32 $0xF7A, s1;
	s8 =	simm.s32 @!p0 $0x1BF5;
	p2 =	por !p2, p0  }
0x20: {  	[sflag:s8] =	ssyncset.s32 @!p0 $0xFFFFF086;
	s6 =	sadd.s32 @!p0 s3, s7;
	s7 =	simm.s32 @!p0 $0x108  }
0x21: {  	s3 =	sadd.s32 s3, s9;
	s6 =	sadd.s32 @!p0 $0x88, s6;
	s7 =	simm.s32 @p2 $0x1082  }
0x22: {  	[simem:s7], [sflag:s8] =	dma.local @!p0 [hbm:s6], $0xF7A  }
0x23: {  	s9 =	sor.u32 $0xD0000000, s2;
	s6 =	simm.s32 $0x108;
	_ =	swait.ge @!p0 [sflag:s8], $0x0  }
0x24: {  	s3 =	sadd.s32 $0x88, s3;
	s6 =	simm.s32 @!p1 $0x1082;
	[sflag:s4] =	ssyncset.s32 $0xFFFFF086  }
0x25: {  	[simem:s6], [sflag:s4] =	dma.local [hbm:s3], $0xF7A  }
0x26: {  	[smem:$0x3F97] =	sst s1;
	(tag) =	ssettag s2;
	_ =	strace s9  }
0x27: {  	s1 =	sld [smem:$0x3FA7]  }
0x28: {  	s2 =	sld [smem:$0x3FA8]  }
0x29: {  	s4 =	sld [smem:$0x3FAA]  }
0x2a: {  	p0 =	seq.s32 s5, $0x0;
	s5 =	sld [smem:$0x3FAB]  }
0x2b: {  	s6 =	sld [smem:$0x3FAC]  }
0x2c: {  	s7 =	sld [smem:$0x3FAD]  }
0x2d: {  	s3 =	simm.s32 $0x108;
	s8 =	sld [smem:$0x3FAE]  }
0x2e: {  	s3 =	simm.s32 @!p0 $0x1082;
	s9 =	sld [smem:$0x3FAF]  }
0x2f: {  	lr =	sadd.s32 s0, s3;
	s0 =	sld [smem:$0x3FA6]  }
0x30: {  	s3 =	sld [smem:$0x3FA9]  }
0x31: {  	[smem:$0x3FB2] =	sst s10  }
0x32: {  	s10 =	sld [smem:$0x3FB0];
	_ =	sdelay $0x3  }
0x33: {  	p0 =	seq.s32 s10, $0x1;
	s10 =	sld [smem:$0x3FB2];
	_ =	sdelay $0x3  }
0x34: {  	[smem:$0x3FB2] =	sst s10  }
0x35: {  	s10 =	sld [smem:$0x3FB1];
	_ =	sdelay $0x3  }
0x36: {  	p1 =	seq.s32 s10, $0x1;
	s10 =	sld [smem:$0x3FB2];
	_ =	sdelay $0x3  }
0x37: {  	[smem:$0x3FB2] =	sst s10  }
0x38: {  	s10 =	sld [smem:$0x3FB3]  }
0x39: {  	_ = 	snop;
	(pc) =	sbr.ind lr, $3  }
0x3a: {  	_ = 	snop  }
0x3b: {  	_ = 	snop  }
0x3c: {  	p2 =	seq.s32 s10, $0x1;
	s10 =	sld [smem:$0x3FB2]  }
0x3d: {  	_ =	shalt  }
0x3e: {  	_ =	shalt  }
0x3f: {  	_ =	shalt  }
0x40: {  	_ =	shalt  }
0x41: {  	_ =	shalt  }
0x42: {  	_ =	shalt  }
0x43: {  	_ =	shalt  }
0x44: {  	_ =	shalt  }
0x45: {  	_ =	shalt  }
0x46: {  	_ =	shalt  }
0x47: {  	_ =	shalt  }
0x48: {  	_ =	shalt  }
0x49: {  	_ =	shalt  }
0x4a: {  	_ =	shalt  }
0x4b: {  	_ =	shalt  }
0x4c: {  	_ =	shalt  }
0x4d: {  	_ =	shalt  }
0x4e: {  	_ =	shalt  }
0x4f: {  	_ =	shalt  }
0x50: {  	_ =	shalt  }
0x51: {  	_ =	shalt  }
0x52: {  	_ =	shalt  }
0x53: {  	_ =	shalt  }
0x54: {  	_ =	shalt  }
0x55: {  	_ =	shalt  }
0x56: {  	_ =	shalt  }
0x57: {  	_ =	shalt  }
0x58: {  	_ =	shalt  }
0x59: {  	_ =	shalt  }
0x5a: {  	_ =	shalt  }
0x5b: {  	_ =	shalt  }
0x5c: {  	_ =	shalt  }
0x5d: {  	_ =	shalt  }
0x5e: {  	_ =	shalt  }
0x5f: {  	_ =	shalt  }
0x60: {  	_ =	shalt  }
0x61: {  	_ =	shalt  }
0x62: {  	_ =	shalt  }
0x63: {  	_ =	shalt  }
0x64: {  	_ =	shalt  }
0x65: {  	_ =	shalt  }
0x66: {  	_ =	shalt  }
0x67: {  	_ =	shalt  }
0x68: {  	_ =	shalt  }
0x69: {  	_ =	shalt  }
0x6a: {  	_ =	shalt  }
0x6b: {  	_ =	shalt  }
0x6c: {  	_ =	shalt  }
0x6d: {  	_ =	shalt  }
0x6e: {  	_ =	shalt  }
0x6f: {  	_ =	shalt  }
0x70: {  	_ =	shalt  }
0x71: {  	_ =	shalt  }
0x72: {  	_ =	shalt  }
0x73: {  	_ =	shalt  }
0x74: {  	_ =	shalt  }
0x75: {  	_ =	shalt  }
0x76: {  	_ =	shalt  }
0x77: {  	_ =	shalt  }
0x78: {  	_ =	shalt  }
0x79: {  	_ =	shalt  }
0x7a: {  	_ =	shalt  }
0x7b: {  	_ =	shalt  }
0x7c: {  	_ =	shalt  }
0x7d: {  	_ =	shalt  }
0x7e: {  	_ =	shalt  }
0x7f: {  	_ =	shalt  }
0x80: {  	_ =	shalt  }
0x81: {  	_ =	shalt  }
0x82: {  	_ =	shalt  }
0x83: {  	_ =	shalt  }
0x84: {  	_ =	shalt  }
0x85: {  	_ =	shalt  }
0x86: {  	_ =	shalt  }
0x87: {  	_ =	shalt  }
.Lfunc_end0:
.L_simem_size_0:
called_computation_lowered:
.L_overlay_start_0:
0x88: {  	s2 =	sld [smem:$0x3FD9]  }
0x89: {  	s3 =	sld [smem:$0x3FFE];
	_ =	sdelay $0x1  }
0x8a: {  	s1 =	srdreg.scid  }
0x8b: {  	s0 =	sand.u32 $0x1, s1  }
0x8c: {  	s17 =	sshll.u32 s0, $0xA;
	s2 =	sadd.s32 s3, s2  }
0x8d: {  	s2 =	sadd.s32 s2, s17  }
0x8e: {  	[smem:$0x3FBE] =	sst s2  }
0x8f: {  	_ = 	snop  }
0x90: {  	(tm) =	ssettm $0x1  }
0x91: {  	s18 =	sld [smem:$0x3FFB];
	_ =	sdelay $0x3  }
0x92: {  	_ =	strace s18  }
0x93: {  	s2 =	sld [smem:$0x3FFC];
	_ =	sdelay $0x3  }
0x94: {  	_ =	strace s2  }
0x95: {  	s2 =	sld [smem:$0x3FFD];
	_ =	sdelay $0x3  }
0x96: {  	_ =	strace s2  }
0x97: {  	_ =	strace $0x8FFFFFFF  }
0x98: {  	s19 =	sld [smem:$0x3FDB];
	_ =	sdelay $0x1  }
0x99: {  	s20 =	simm.s32 $_scs_section_size  }
0x9a: {  	s4 =	simm.s32 $_size__tile_overlayer_lowered;
	s5 =	simm.s32 $_tile_overlayer_lowered  }
0x9b: {  	s6 =	simm.s32 $0x1BFF;
	s21 =	sshll.u32 s5, $0x1;
	s3 =	sadd.s32 s20, s19  }
0x9c: {  	s22 =	simm.s32 $0x0;
	s4 =	sshll.u32 s4, $0x1;
	s5 =	sadd.s32 s21, s3  }
0x9d: {  	[timem:s22], [sflag:s6] =	dma.local [hbm:s5], s4  }
0x9e: {  	_ =	swait.ge [sflag:s6], s4  }
0x9f: {  	s4 =	ssub.s32 $0x0, s4;
	[sflag:s6] =	ssyncset.done $0x0  }
0xa0: {  	[sflag:s6] =	ssyncadd.s32 s4;
	_ =	sdelay $0x1  }
0xa1: {  	s23 =	simm.s32 $0x1B8B  }
0xa2: {  	_ =	swait.ge [sflag:s23], $0x1  }
0xa3: {  	[sflag:s23] =	ssyncset.done $0x0  }
0xa4: {  	[sflag:s23] =	ssyncadd.s32 $0xFFFFFFFF  }
0xa5: {  	s4 =	sld [smem:$0x0]  }
0xa6: {  	s5 =	sand.u32 $0xFFFFFFFE, s1  }
0xa7: {  	p0 =	sne.s32 s1, s5  }
0xa8: {  	s5 =	sshll.u32 @p0 s5, $0xE  }
0xa9: {  	s5 =	sadd.s32 @p0 $0x11B8D, s5;
	s6 =	sshll.u32 @p0 s4, $0x11  }
0xaa: {  	s5 =	sor.u32 @p0 s6, s5  }
0xab: {  	[sflag:s5] =	ssyncadd.remote.s32 @p0 $0x1;
	_ =	sdelay $0x1  }
0xac: {  	s5 =	simm.s32 @p0 $0x1B8D  }
0xad: {  	_ =	swait.eq @p0 [sflag:s5], $0x1  }
0xae: {  	[sflag:s5] =	ssyncadd.s32 @p0 $0xFFFFFFFF  }
0xaf: {  	s6 =	sshll.u32 @!p0 s1, $0xE  }
0xb0: {  	s6 =	sor.u32 @!p0 $0x4000, s6;
	s5 =	simm.s32 @!p0 $0x1B8D  }
0xb1: {  	s4 =	sshll.u32 @!p0 s4, $0x11;
	s6 =	sadd.s32 @!p0 $0x11B8D, s6;
	_ =	swait.eq @!p0 [sflag:s5], $0x1  }
0xb2: {  	s4 =	sor.u32 @!p0 s4, s6;
	[sflag:s5] =	ssyncadd.s32 @!p0 $0xFFFFFFFF  }
0xb3: {  	s25 =	simm.s32 $0x1B8E;
	s24 =	sld [smem:$0x3FFE];
	[sflag:s4] =	ssyncadd.remote.s32 @!p0 $0x1  }
0xb4: {  	s26 =	simm.s32 $execute0_lowered;
	[smem:$0x3FD2] =	sst s25  }
0xb5: {  	s5 =	sshll.u32 s26, $0x1;
	_ =	strace $0x80000049;
	[dreg:$0x1] =	wrdreg $0xFFFFFFFF  }
0xb6: {  	s28 =	simm.s32 $_size_execute0_lowered;
	s3 =	sadd.s32 s3, s5;
	[dreg:$0x0] =	wrdreg $0x0  }
0xb7: {  	s5 =	sshll.u32 s28, $0x1;
	[dreg:$0x2] =	wrdreg s3  }
0xb8: {  	[dreg:$0x3] =	wrdreg s5  }
0xb9: {  	[dreg:$0x4] =	wrdreg $0xC0  }
0xba: {  	_ =	task [dreg:s22], $0x5FFFF  }
0xbb: {  	[dreg:$0x1] =	wrdreg $0xFFFFFFFF  }
0xbc: {  	[dreg:$0x0] =	wrdreg $0x60  }
0xbd: {  	[dreg:$0x2] =	wrdreg s24  }
0xbe: {  	[dreg:$0x3] =	wrdreg $0x68000  }
0xbf: {  	[dreg:$0x4] =	wrdreg $0x9  }
0xc0: {  	_ =	task.clear_ibuf [dreg:s22], $0x5FFFF;
	_ =	strace $0x90000049  }
0xc1: {  	s29 =	simm.s32 $0x9;
	_ =	strace $0x8000004B  }
0xc2: {  	_ =	swait.ge [sflag:s29], $0x1  }
0xc3: {  	[sflag:s29] =	ssyncadd.s32 $0xFFFFFFFF  }
0xc4: {  	_ =	strace $0x9000004B  }
0xc5: {  	_ =	sfence  }
0xc6: {  	s30 =	sld [smem:$0x0];
	_ =	sdelay $0x2  }
0xc7: {  	s31 =	sshll.u32 s1, $0xD;
	s1 =	sshrl.u32 s1, $0x2  }
0xc8: {  	s4 =	sand.u32 $0x4000, s31;
	s1 =	sadd.s32 s1, s30  }
0xc9: {  	s0 =	sor.u32 s4, s0;
	s1 =	sshll.u32 s1, $0x11  }
0xca: {  	s0 =	sor.u32 s1, s0  }
0xcb: {  	s0 =	sadd.s32 $0x8F2B, s0  }
0xcc: {  	[sflag:s0] =	ssyncadd.remote.s32 $0x1  }
0xcd: {  	_ =	sfence.sel $0xFFFF  }
0xce: {  	[dreg:$0x0] =	wrdreg $0xFFFFFFFF;
	(pc) =	sbr.abs _section_cstart, $3  }
0xcf: {  	[dreg:$0x1] =	wrdreg $0xFFFFFFFF  }
0xd0: {  	_ =	task.clear_ibuf [dreg:s22], $0x2FFFF;
	_ =	strace $0x9FFFFFFF  }
0xd1: {  	(tm) =	ssettm $0x7FFFFFFF  }
tec
execute0_lowered:
.L_overlay_start_1:
0x0: {  	(tag) =	ssettag $0x1  }
0x1: {  	s0 =	srdreg.scid;
	s6 =	rddreg [dreg:$0x0]  }
0x2: {  	s11 =	stileid.u32;
	s1 =	rddreg [dreg:$0x1];
	s2 =	simm.s32 $0x0  }
0x3: {  	s12 =	simm.s32 $0x80;
	s16 =	simm.s32 $0x0;
	s8 =	sand.u32 $0x1, s0  }
0x4: {  	[smem:$0x7FF] =	sst s2;
	s4 =	sadd.s32 $0x42C00, s6;
	s5 =	sadd.s32 $0xB8A00, s6  }
0x5: {  	p0 =	seq.s32 s11, $0x0;
	s0 =	sshll.u32 s8, $0x4;
	s9 =	ssub.s32 $0x2, s8  }
0x6: {  	p1 =	seq.s32 s8, $0x1;
	s31 =	sor.u32 s8, s11;
	s3 =	sor.u32 s11, s0  }
0x7: {  	s0 =	rddreg [dreg:$0x2];
	_ =	strace $0x8000004A;
	s10 =	sshrl.u32 s9, $0x1  }
0x8: {  	p0 =	por !p0, !p1;
	p2 =	sne.s32 s31, $0x0;
	s3 =	smul.u32 $0x500, s3  }
0x9: {  	s9 =	ssub.s32 s9, s10;
	p1 =	por !p0, !p0;
	p0 =	sne.s32 s11, $0x0  }
0xa: {  	s10 =	simm.s32 $0x1;
	s13 =	sshll.u32 @!p2 s11, $0x6;
	s11 =	simm.s32 $0x2800  }
0xb: {  	s14 =	sshrl.u32 @!p2 s1, $0x3;
	s8 =	smax.u32 s9, $0x1;
	s9 =	sshrl.u32 @!p0 s1, $0x3  }
0xc: {  	s13 =	sor.u32 @!p2 $0x1C01, s13;
	s15 =	sshrl.u32 @p1 s1, $0x3;
	s7 =	sadd.s32 s3, s6  }
0xd: {  	s3 =	sadd.s32 $0xB8200, s6;
	s6 =	sadd.s32 $0xDFC00, s6;
	s7 =	sadd.s32 $0x7A00, s7  }
.LBB2_1:
0xe: {  	s17 =	simm.s32 @!p0 $0x1C01  }
0xf: {  	[spmem:s9], [sflag:s17] =	dma.local @!p0 [hbm:s4], $0x27200  }
0x10: {  	s17 =	simm.s32 @!p0 $0x1  }
0x11: {  	_ =	swait.ge @!p0 [sflag:s17], $0x27200  }
0x12: {  	[sflag:s17] =	ssyncset.done @!p0 $0x0  }
0x13: {  	[sflag:s17] =	ssyncadd.s32 @!p0 $0xFFFD8E00  }
0x14: {  	[bflag:$0x0] =	sbarrier.arrive $0xFFFF  }
0x15: {  	[tilespmem:s2], [sflag:$0x1] =	stream.linear.gather [hbm4b:s7+s2], $0x2780, $0x38;
	[tilespmem:$0x1A100] =	vst v63  }
0x16: {  	_ =	swait.ge [sflag:s10], $0x2780  }
0x17: {  	[sflag:s10] =	ssyncset.done $0x0  }
0x18: {  	[sflag:s10] =	ssyncadd.s32 $0xFFFFD880  }
0x19: {  	[tilespmem:s11], [sflag:$0x1] =	stream.linear.gather [hbm4b:s3+s2], $0x4000, $0x38;
	[tilespmem:$0x1A100] =	vst v63  }
0x1a: {  	_ =	swait.ge [sflag:s10], $0x4000  }
0x1b: {  	[sflag:s10] =	ssyncset.done $0x0  }
0x1c: {  	s31 =	simm.s32 $0x0;
	[sflag:s10] =	ssyncadd.s32 $0xFFFFC000  }
0x1d: {  	[spmem:s1] =	stream.indirect.scatter.add.f32 [tilespmem:s11], [sflag:$0x1], $0x80, s31, s12, $0xb8;
	[tilespmem:$0x1A100] =	vst v63  }
0x1e: {  	_ =	swait.ge [sflag:s10], $0x4000  }
0x1f: {  	s17 =	simm.s32 $0x200;
	[sflag:s10] =	ssyncset.done $0x0  }
.LBB2_2:
0x20: {  	s18 =	sshra.s32 s17, $0x2;
	[sflag:s10] =	ssyncadd.s32 $0xFFFFC000;
	p3 =	sne.s32 s17, $0x9C00  }
0x21: {  	[spmem:s1] =	stream.indirect.scatter.add.f32 [tilespmem:s11], [sflag:$0x1], $0x80, s18, s12, $0xb8;
	[tilespmem:$0x1A100] =	vst v63  }
.Ltmp0:
0x22: {  	_ = 	snop;
	(pc) =	sbr.rel @p3 .LBB2_2-.Ltmp0, $4  }
0x23: {  	_ = 	snop  }
0x24: {  	s17 =	sadd.s32 $0x200, s17  }
0x25: {  	_ =	swait.ge [sflag:s10], $0x4000  }
0x26: {  	[sflag:s10] =	ssyncset.done $0x0  }
0x27: {  	[sflag:s10] =	ssyncadd.s32 $0xFFFFC000  }
0x28: {  	s17 =	simm.s32 @!p2 $0x1;
	[bflag:$0x0] =	sbarrier.arrive $0xFFFF  }
0x29: {  	[hbm:s5], [sflag:s13] =	dma.local @!p2 [spmem:s14], $0x27200  }
0x2a: {  	_ =	swait.ge @!p2 [sflag:s17], $0x27200  }
0x2b: {  	s16 =	sadd.s32 $0x1, s16;
	[sflag:s17] =	ssyncset.done @!p2 $0x0  }
0x2c: {  	p3 =	sne.s32 s16, s8;
	[sflag:s17] =	ssyncadd.s32 @!p2 $0xFFFD8E00;
	s17 =	simm.s32 @p1 $0x1C01  }
0x2d: {  	[hbm:s6], [sflag:s17] =	dma.local @p1 [spmem:s15], $0x27200  }
.Ltmp1:
0x2e: {  	_ = 	snop;
	(pc) =	sbr.rel @p3 .LBB2_1-.Ltmp1, $4  }
0x2f: {  	s17 =	simm.s32 @p1 $0x1  }
0x30: {  	_ =	swait.ge @p1 [sflag:s17], $0x27200  }
0x31: {  	[sflag:s17] =	ssyncset.done @p1 $0x0  }
0x32: {  	[sflag:s17] =	ssyncadd.s32 @p1 $0xFFFD8E00  }
0x33: {  	_ =	sfence.sel $0x180000  }
0x34: {  	[bflag:$0x0] =	sbarrier.arrive $0xFFFF  }
0x35: {  	_ =	strace $0x9000004A  }
0x36: {  	s0 =	sadd.s32 @!p0 $0x100000, s0;
	[bflag:$0x2] =	sbarrier.arrive $0xFFFF  }
0x37: {  	[sflag:s0] =	ssyncadd.tile.s32 @!p0 $0x1;
	_ =	shalt  }
.Lfunc_end2:
_tile_overlayer_lowered:
.L_overlay_start_2:
0x38: {  	(tag) =	ssettag $0x2  }
0x39: {  	s0 =	rddreg [dreg:$0x0];
	s2 =	stileid.u32  }
0x3a: {  	s1 =	rddreg [dreg:$0x1];
	p0 =	sne.s32 s2, $0x0  }
0x3b: {  	s3 =	rddreg [dreg:$0x2];
	[bflag:$0x3] =	sbarrier.arrive $0xFFFF;
	s2 =	simm.s32 @!p0 $0x1C01  }
0x3c: {  	[timem:s3], [sflag:s2] =	dma.local @!p0 [hbm:s0], s1  }
0x3d: {  	s0 =	simm.s32 @!p0 $0x1  }
0x3e: {  	_ =	swait.ge @!p0 [sflag:s0], s1  }
0x3f: {  	s1 =	ssub.s32 @!p0 $0x0, s1;
	[sflag:s0] =	ssyncset.done @!p0 $0x0  }
0x40: {  	[sflag:s0] =	ssyncadd.s32 @!p0 s1  }
0x41: {  	[bflag:$0x3] =	sbarrier.arrive $0xFFFF  }
0x42: {  	_ =	shalt  }

// kernel: kernel.20.cloned.1.call-start
scs
__scs_entry_jumppad:
0x0: {  	(pc) =	sbr.rel $0x88, $3  }
0x1: {  	(tag) =	ssettag $0x0;
	lr =	simm.s32 $0x1  }
0x2: {  	[smem:$0x3F97] =	sst lr;
	_ =	strace $0xD0000000  }
0x3: {  	_ = 	snop  }
0x4: {  	_ = 	snop  }
0x5: {  	_ = 	snop  }
0x6: {  	_ = 	snop  }
0x7: {  	_ = 	snop  }
__scs_overlays_trampoline_lowered:
0x8: {  	[smem:$0x3FA6] =	sst s0  }
0x9: {  	[smem:$0x3FA7] =	sst s1  }
0xa: {  	[smem:$0x3FA8] =	sst s2  }
0xb: {  	[smem:$0x3FA9] =	sst s3  }
0xc: {  	[smem:$0x3FAA] =	sst s4  }
0xd: {  	[smem:$0x3FAB] =	sst s5  }
0xe: {  	[smem:$0x3FAC] =	sst s6  }
0xf: {  	[smem:$0x3FAD] =	sst s7  }
0x10: {  	[smem:$0x3FAE] =	sst s8  }
0x11: {  	[smem:$0x3FAF] =	sst s9;
	s0 =	simm.s32 @!p0 $0x0  }
0x12: {  	s1 =	sld [smem:$0x3F95];
	s0 =	simm.s32 @p0 $0x1  }
0x13: {  	[smem:$0x3FB0] =	sst s0;
	s0 =	simm.s32 @!p1 $0x0  }
0x14: {  	s2 =	sld [smem:$0x3F94];
	s0 =	simm.s32 @p1 $0x1  }
0x15: {  	[smem:$0x3FB1] =	sst s0;
	s0 =	simm.s32 @!p2 $0x0  }
0x16: {  	s3 =	sld [smem:$0x3FDB];
	s0 =	simm.s32 @p2 $0x1  }
0x17: {  	s4 =	simm.s32 $0x1BF5;
	[smem:$0x3FB3] =	sst s0  }
0x18: {  	s0 =	sld [smem:$0x3F96];
	_ =	swait.ge [sflag:s4], $0x0  }
0x19: {  	s7 =	sld [smem:$0x3F97]  }
0x1a: {  	s8 =	sadd.s32 $0xFFFFE003, lr  }
0x1b: {  	s9 =	sadd.s32 $0xFFFFFEF7, lr;
	s5 =	simm.s32 $0xFFFFFFFF;
	p2 =	slt.u32 s8, $0xFFFFF086  }
0x1c: {  	p1 =	slt.u32 s9, $0xF7A;
	s5 =	simm.s32 @!p2 $0x0  }
0x1d: {  	s5 =	simm.s32 @p1 $0x1;
	p0 =	seq.s32 s7, s2  }
0x1e: {  	s7 =	smul.u32 @!p0 $0xF7A, s2;
	p2 =	seq.s32 @!p0 s5, $0x0  }
0x1f: {  	s9 =	smul.u32 $0xF7A, s1;
	s8 =	simm.s32 @!p0 $0x1BF5;
	p2 =	por !p2, p0  }
0x20: {  	[sflag:s8] =	ssyncset.s32 @!p0 $0xFFFFF086;
	s6 =	sadd.s32 @!p0 s3, s7;
	s7 =	simm.s32 @!p0 $0x108  }
0x21: {  	s3 =	sadd.s32 s3, s9;
	s6 =	sadd.s32 @!p0 $0x88, s6;
	s7 =	simm.s32 @p2 $0x1082  }
0x22: {  	[simem:s7], [sflag:s8] =	dma.local @!p0 [hbm:s6], $0xF7A  }
0x23: {  	s9 =	sor.u32 $0xD0000000, s2;
	s6 =	simm.s32 $0x108;
	_ =	swait.ge @!p0 [sflag:s8], $0x0  }
0x24: {  	s3 =	sadd.s32 $0x88, s3;
	s6 =	simm.s32 @!p1 $0x1082;
	[sflag:s4] =	ssyncset.s32 $0xFFFFF086  }
0x25: {  	[simem:s6], [sflag:s4] =	dma.local [hbm:s3], $0xF7A  }
0x26: {  	[smem:$0x3F97] =	sst s1;
	(tag) =	ssettag s2;
	_ =	strace s9  }
0x27: {  	s1 =	sld [smem:$0x3FA7]  }
0x28: {  	s2 =	sld [smem:$0x3FA8]  }
0x29: {  	s4 =	sld [smem:$0x3FAA]  }
0x2a: {  	p0 =	seq.s32 s5, $0x0;
	s5 =	sld [smem:$0x3FAB]  }
0x2b: {  	s6 =	sld [smem:$0x3FAC]  }
0x2c: {  	s7 =	sld [smem:$0x3FAD]  }
0x2d: {  	s3 =	simm.s32 $0x108;
	s8 =	sld [smem:$0x3FAE]  }
0x2e: {  	s3 =	simm.s32 @!p0 $0x1082;
	s9 =	sld [smem:$0x3FAF]  }
0x2f: {  	lr =	sadd.s32 s0, s3;
	s0 =	sld [smem:$0x3FA6]  }
0x30: {  	s3 =	sld [smem:$0x3FA9]  }
0x31: {  	[smem:$0x3FB2] =	sst s10  }
0x32: {  	s10 =	sld [smem:$0x3FB0];
	_ =	sdelay $0x3  }
0x33: {  	p0 =	seq.s32 s10, $0x1;
	s10 =	sld [smem:$0x3FB2];
	_ =	sdelay $0x3  }
0x34: {  	[smem:$0x3FB2] =	sst s10  }
0x35: {  	s10 =	sld [smem:$0x3FB1];
	_ =	sdelay $0x3  }
0x36: {  	p1 =	seq.s32 s10, $0x1;
	s10 =	sld [smem:$0x3FB2];
	_ =	sdelay $0x3  }
0x37: {  	[smem:$0x3FB2] =	sst s10  }
0x38: {  	s10 =	sld [smem:$0x3FB3]  }
0x39: {  	_ = 	snop;
	(pc) =	sbr.ind lr, $3  }
0x3a: {  	_ = 	snop  }
0x3b: {  	_ = 	snop  }
0x3c: {  	p2 =	seq.s32 s10, $0x1;
	s10 =	sld [smem:$0x3FB2]  }
0x3d: {  	_ =	shalt  }
0x3e: {  	_ =	shalt  }
0x3f: {  	_ =	shalt  }
0x40: {  	_ =	shalt  }
0x41: {  	_ =	shalt  }
0x42: {  	_ =	shalt  }
0x43: {  	_ =	shalt  }
0x44: {  	_ =	shalt  }
0x45: {  	_ =	shalt  }
0x46: {  	_ =	shalt  }
0x47: {  	_ =	shalt  }
0x48: {  	_ =	shalt  }
0x49: {  	_ =	shalt  }
0x4a: {  	_ =	shalt  }
0x4b: {  	_ =	shalt  }
0x4c: {  	_ =	shalt  }
0x4d: {  	_ =	shalt  }
0x4e: {  	_ =	shalt  }
0x4f: {  	_ =	shalt  }
0x50: {  	_ =	shalt  }
0x51: {  	_ =	shalt  }
0x52: {  	_ =	shalt  }
0x53: {  	_ =	shalt  }
0x54: {  	_ =	shalt  }
0x55: {  	_ =	shalt  }
0x56: {  	_ =	shalt  }
0x57: {  	_ =	shalt  }
0x58: {  	_ =	shalt  }
0x59: {  	_ =	shalt  }
0x5a: {  	_ =	shalt  }
0x5b: {  	_ =	shalt  }
0x5c: {  	_ =	shalt  }
0x5d: {  	_ =	shalt  }
0x5e: {  	_ =	shalt  }
0x5f: {  	_ =	shalt  }
0x60: {  	_ =	shalt  }
0x61: {  	_ =	shalt  }
0x62: {  	_ =	shalt  }
0x63: {  	_ =	shalt  }
0x64: {  	_ =	shalt  }
0x65: {  	_ =	shalt  }
0x66: {  	_ =	shalt  }
0x67: {  	_ =	shalt  }
0x68: {  	_ =	shalt  }
0x69: {  	_ =	shalt  }
0x6a: {  	_ =	shalt  }
0x6b: {  	_ =	shalt  }
0x6c: {  	_ =	shalt  }
0x6d: {  	_ =	shalt  }
0x6e: {  	_ =	shalt  }
0x6f: {  	_ =	shalt  }
0x70: {  	_ =	shalt  }
0x71: {  	_ =	shalt  }
0x72: {  	_ =	shalt  }
0x73: {  	_ =	shalt  }
0x74: {  	_ =	shalt  }
0x75: {  	_ =	shalt  }
0x76: {  	_ =	shalt  }
0x77: {  	_ =	shalt  }
0x78: {  	_ =	shalt  }
0x79: {  	_ =	shalt  }
0x7a: {  	_ =	shalt  }
0x7b: {  	_ =	shalt  }
0x7c: {  	_ =	shalt  }
0x7d: {  	_ =	shalt  }
0x7e: {  	_ =	shalt  }
0x7f: {  	_ =	shalt  }
0x80: {  	_ =	shalt  }
0x81: {  	_ =	shalt  }
0x82: {  	_ =	shalt  }
0x83: {  	_ =	shalt  }
0x84: {  	_ =	shalt  }
0x85: {  	_ =	shalt  }
0x86: {  	_ =	shalt  }
0x87: {  	_ =	shalt  }
.Lfunc_end0:
.L_simem_size_0:
called_computation.1_lowered:
.L_overlay_start_0:
0x88: {  	s2 =	sld [smem:$0x3FD9]  }
0x89: {  	s3 =	sld [smem:$0x3FFE];
	_ =	sdelay $0x1  }
0x8a: {  	s1 =	srdreg.scid  }
0x8b: {  	s0 =	sand.u32 $0x1, s1  }
0x8c: {  	s16 =	sshll.u32 s0, $0xA;
	s2 =	sadd.s32 s3, s2  }
0x8d: {  	s2 =	sadd.s32 s2, s16  }
0x8e: {  	[smem:$0x3FBE] =	sst s2  }
0x8f: {  	_ = 	snop  }
0x90: {  	(tm) =	ssettm $0x1  }
0x91: {  	s17 =	sld [smem:$0x3FFB];
	_ =	sdelay $0x3  }
0x92: {  	_ =	strace s17  }
0x93: {  	s2 =	sld [smem:$0x3FFC];
	_ =	sdelay $0x3  }
0x94: {  	_ =	strace s2  }
0x95: {  	s2 =	sld [smem:$0x3FFD];
	_ =	sdelay $0x3  }
0x96: {  	_ =	strace s2  }
0x97: {  	_ =	strace $0x8FFFFFFF  }
0x98: {  	s18 =	sld [smem:$0x3FDB];
	_ =	sdelay $0x1  }
0x99: {  	s19 =	simm.s32 $_scs_section_size  }
0x9a: {  	s4 =	simm.s32 $_size__tile_overlayer_lowered;
	s5 =	simm.s32 $_tile_overlayer_lowered  }
0x9b: {  	s22 =	simm.s32 $0x1BFF;
	s21 =	sshll.u32 s5, $0x1;
	s2 =	sadd.s32 s19, s18  }
0x9c: {  	s6 =	simm.s32 $0x0;
	s20 =	sshll.u32 s4, $0x1;
	s4 =	sadd.s32 s21, s2  }
0x9d: {  	[timem:s6], [sflag:s22] =	dma.local [hbm:s4], s20  }
0x9e: {  	_ =	swait.ge [sflag:s22], s20  }
0x9f: {  	s3 =	ssub.s32 $0x0, s20;
	[sflag:s22] =	ssyncset.done $0x0  }
0xa0: {  	[sflag:s22] =	ssyncadd.s32 s3;
	_ =	sdelay $0x1  }
0xa1: {  	s23 =	simm.s32 $0x1B8B  }
0xa2: {  	_ =	swait.ge [sflag:s23], $0x1  }
0xa3: {  	[sflag:s23] =	ssyncset.done $0x0  }
0xa4: {  	s25 =	simm.s32 $0x1B8E;
	s24 =	sld [smem:$0x3FFE];
	[sflag:s23] =	ssyncadd.s32 $0xFFFFFFFF  }
0xa5: {  	s26 =	simm.s32 $execute0_lowered;
	[smem:$0x3FD2] =	sst s25  }
0xa6: {  	s4 =	sshll.u32 s26, $0x1;
	_ =	strace $0x80000046;
	[dreg:$0x1] =	wrdreg $0xFFFFFFFF  }
0xa7: {  	s28 =	simm.s32 $_size_execute0_lowered;
	s2 =	sadd.s32 s2, s4;
	[dreg:$0x0] =	wrdreg $0x0  }
0xa8: {  	s4 =	sshll.u32 s28, $0x1;
	[dreg:$0x2] =	wrdreg s2  }
0xa9: {  	[dreg:$0x3] =	wrdreg s4  }
0xaa: {  	[dreg:$0x4] =	wrdreg $0xC0  }
0xab: {  	_ =	task [dreg:s6], $0x5FFFF  }
0xac: {  	[dreg:$0x1] =	wrdreg $0xFFFFFFFF  }
0xad: {  	[dreg:$0x0] =	wrdreg $0x60  }
0xae: {  	[dreg:$0x2] =	wrdreg s24  }
0xaf: {  	[dreg:$0x3] =	wrdreg $0x90000  }
0xb0: {  	[dreg:$0x4] =	wrdreg $0xA  }
0xb1: {  	_ =	task.clear_ibuf [dreg:s6], $0x5FFFF;
	_ =	strace $0x90000046  }
0xb2: {  	s29 =	simm.s32 $0xA;
	_ =	strace $0x80000048  }
0xb3: {  	_ =	swait.ge [sflag:s29], $0x1  }
0xb4: {  	[sflag:s29] =	ssyncadd.s32 $0xFFFFFFFF  }
0xb5: {  	_ =	strace $0x90000048  }
0xb6: {  	_ =	sfence  }
0xb7: {  	s30 =	sld [smem:$0x0];
	_ =	sdelay $0x2  }
0xb8: {  	s31 =	sshll.u32 s1, $0xD;
	s1 =	sshrl.u32 s1, $0x2  }
0xb9: {  	s3 =	sand.u32 $0x4000, s31;
	s1 =	sadd.s32 s1, s30  }
0xba: {  	s0 =	sor.u32 s3, s0;
	s1 =	sshll.u32 s1, $0x11  }
0xbb: {  	s0 =	sor.u32 s1, s0  }
0xbc: {  	s0 =	sadd.s32 $0x8F2B, s0  }
0xbd: {  	[sflag:s0] =	ssyncadd.remote.s32 $0x1  }
0xbe: {  	_ =	sfence.sel $0xFFFF  }
0xbf: {  	[dreg:$0x0] =	wrdreg $0xFFFFFFFF;
	(pc) =	sbr.abs _section_cstart, $3  }
0xc0: {  	[dreg:$0x1] =	wrdreg $0xFFFFFFFF  }
0xc1: {  	_ =	task.clear_ibuf [dreg:s6], $0x2FFFF;
	_ =	strace $0x9FFFFFFF  }
0xc2: {  	(tm) =	ssettm $0x7FFFFFFF  }
0xc3: {  	_ =	shalt  }
tec
execute0_lowered:
.L_overlay_start_1:
0x0: {  	(tag) =	ssettag $0x1  }
0x1: {  	s0 =	srdreg.scid;
	s6 =	rddreg [dreg:$0x0]  }
0x2: {  	s1 =	rddreg [dreg:$0x1];
	s14 =	stileid.u32;
	s2 =	simm.s32 $0x0  }
0x3: {  	s11 =	simm.s32 $0x2;
	s13 =	simm.s32 $0x80;
	s15 =	simm.s32 $0x1  }
0x4: {  	s19 =	simm.s32 $0x0;
	s9 =	sand.u32 $0x1, s0;
	s0 =	rddreg [dreg:$0x2]  }
0x5: {  	[smem:$0x7FF] =	sst s2;
	s5 =	sadd.s32 $0x69E00, s6;
	p0 =	seq.s32 s14, $0x0  }
0x6: {  	s3 =	sshll.u32 s9, $0x4;
	_ =	strace $0x80000047;
	s7 =	ssub.s32 $0x2, s9  }
0x7: {  	p1 =	seq.s32 s9, $0x1;
	s12 =	sor.u32 s9, s14;
	s3 =	sor.u32 s14, s3  }
0x8: {  	s10 =	sshrl.u32 s7, $0x1;
	p0 =	por !p0, !p1;
	p2 =	sne.s32 s12, $0x0  }
0x9: {  	s12 =	simm.s32 $0x2800;
	s4 =	smul.u32 $0x500, s3;
	s3 =	sadd.s32 $0x1BA00, s6  }
0xa: {  	s10 =	ssub.s32 s7, s10;
	p1 =	por !p0, !p0;
	p0 =	sne.s32 s14, $0x0  }
0xb: {  	s16 =	sshll.u32 @!p2 s14, $0x6;
	s14 =	simm.s32 $0x5000;
	s17 =	sshrl.u32 @!p2 s1, $0x3  }
0xc: {  	s9 =	smax.u32 s10, $0x1;
	s10 =	sshrl.u32 @!p0 s1, $0x3;
	s16 =	sor.u32 @!p2 $0x1C02, s16  }
0xd: {  	s18 =	sshrl.u32 @p1 s1, $0x3;
	s8 =	sadd.s32 s4, s6;
	s4 =	sadd.s32 $0x42C00, s6  }
0xe: {  	s6 =	sadd.s32 $0x91000, s6;
	s7 =	sadd.s32 $0x11A00, s8;
	s8 =	sadd.s32 $0x7A00, s8  }
.LBB2_1:
0xf: {  	s20 =	simm.s32 @!p0 $0x1C02  }
0x10: {  	[spmem:s10], [sflag:s20] =	dma.local @!p0 [hbm:s4], $0x27200  }
0x11: {  	s20 =	simm.s32 @!p0 $0x2  }
0x12: {  	_ =	swait.ge @!p0 [sflag:s20], $0x27200  }
0x13: {  	[sflag:s20] =	ssyncset.done @!p0 $0x0  }
0x14: {  	[sflag:s20] =	ssyncadd.s32 @!p0 $0xFFFD8E00  }
0x15: {  	[bflag:$0x0] =	sbarrier.arrive $0xFFFF  }
0x16: {  	[tilespmem:s2], [sflag:$0x2] =	stream.linear.gather [hbm4b:s7+s2], $0x2780, $0x38;
	[tilespmem:$0x1C900] =	vst v63  }
0x17: {  	_ =	swait.ge [sflag:s11], $0x2780  }
0x18: {  	[sflag:s11] =	ssyncset.done $0x0  }
0x19: {  	[sflag:s11] =	ssyncadd.s32 $0xFFFFD880  }
0x1a: {  	[tilespmem:s12], [sflag:$0x2] =	stream.linear.gather [hbm4b:s8+s2], $0x2780, $0x38;
	[tilespmem:$0x1C900] =	vst v63  }
0x1b: {  	_ =	swait.ge [sflag:s11], $0x2780  }
0x1c: {  	[sflag:s11] =	ssyncset.done $0x0  }
0x1d: {  	s30 =	simm.s32 $0x0;
	[sflag:s11] =	ssyncadd.s32 $0xFFFFD880  }
0x1e: {  	[tilespmem:s14], [sflag:$0x1] =	stream.indirect.gather [hbm4b:s3+s13], $0x80, s30, s13, $0xb8;
	[tilespmem:$0x1C900] =	vst v63  }
0x1f: {  	_ =	swait.ge [sflag:s15], $0x4000  }
0x20: {  	[sflag:s15] =	ssyncset.done $0x0  }
0x21: {  	s31 =	simm.s32 $0x2800;
	[sflag:s15] =	ssyncadd.s32 $0xFFFFC000  }
0x22: {  	[spmem:s1] =	stream.indirect.scatter.add.f32 [tilespmem:s14], [sflag:$0x2], $0x80, s31, s13, $0xb8;
	[tilespmem:$0x1C900] =	vst v63  }
0x23: {  	_ =	swait.ge [sflag:s11], $0x4000  }
0x24: {  	s21 =	simm.s32 $0x400;
	s20 =	simm.s32 $0x200;
	[sflag:s11] =	ssyncset.done $0x0  }
.LBB2_2:
0x25: {  	s22 =	sshra.s32 s20, $0x2  }
0x26: {  	[sflag:s11] =	ssyncadd.s32 $0xFFFFC000;
	s20 =	smov.u32 s21;
	s23 =	sadd.s32 $0x200, s21  }
0x27: {  	[tilespmem:s14], [sflag:$0x1] =	stream.indirect.gather [hbm4b:s3+s13], $0x80, s22, s13, $0xb8;
	[tilespmem:$0x1C900] =	vst v63  }
0x28: {  	p3 =	sne.s32 s21, $0x9C00;
	_ =	swait.ge [sflag:s15], $0x4000  }
.Ltmp0:
0x29: {  	[sflag:s15] =	ssyncset.done $0x0;
	(pc) =	sbr.rel @p3 .LBB2_2-.Ltmp0, $4  }
0x2a: {  	s21 =	sadd.s32 $0x2800, s22;
	[sflag:s15] =	ssyncadd.s32 $0xFFFFC000  }
0x2b: {  	[spmem:s1] =	stream.indirect.scatter.add.f32 [tilespmem:s14], [sflag:$0x2], $0x80, s21, s13, $0xb8;
	[tilespmem:$0x1C900] =	vst v63  }
0x2c: {  	_ =	swait.ge [sflag:s11], $0x4000  }
0x2d: {  	s21 =	smov.u32 s23;
	[sflag:s11] =	ssyncset.done $0x0  }
0x2e: {  	s20 =	sshra.s32 s20, $0x2;
	[sflag:s11] =	ssyncadd.s32 $0xFFFFC000  }
0x2f: {  	[tilespmem:s14], [sflag:$0x1] =	stream.indirect.gather [hbm4b:s3+s13], $0x80, s20, s13, $0xb8;
	[tilespmem:$0x1C900] =	vst v63  }
0x30: {  	_ =	swait.ge [sflag:s15], $0x4000  }
0x31: {  	[sflag:s15] =	ssyncset.done $0x0  }
0x32: {  	s20 =	sadd.s32 $0x2800, s20;
	[sflag:s15] =	ssyncadd.s32 $0xFFFFC000  }
0x33: {  	[spmem:s1] =	stream.indirect.scatter.add.f32 [tilespmem:s14], [sflag:$0x2], $0x80, s20, s13, $0xb8;
	[tilespmem:$0x1C900] =	vst v63  }
0x34: {  	_ =	swait.ge [sflag:s11], $0x4000  }
0x35: {  	[sflag:s11] =	ssyncset.done $0x0  }
0x36: {  	[sflag:s11] =	ssyncadd.s32 $0xFFFFC000  }
0x37: {  	s20 =	simm.s32 @!p2 $0x2;
	[bflag:$0x0] =	sbarrier.arrive $0xFFFF  }
0x38: {  	[hbm:s5], [sflag:s16] =	dma.local @!p2 [spmem:s17], $0x27200  }
0x39: {  	_ =	swait.ge @!p2 [sflag:s20], $0x27200  }
0x3a: {  	s19 =	sadd.s32 $0x1, s19;
	[sflag:s20] =	ssyncset.done @!p2 $0x0  }
0x3b: {  	p3 =	sne.s32 s19, s9;
	[sflag:s20] =	ssyncadd.s32 @!p2 $0xFFFD8E00;
	s20 =	simm.s32 @p1 $0x1C02  }
0x3c: {  	[hbm:s6], [sflag:s20] =	dma.local @p1 [spmem:s18], $0x27200  }
.Ltmp1:
0x3d: {  	_ = 	snop;
	(pc) =	sbr.rel @p3 .LBB2_1-.Ltmp1, $4  }
0x3e: {  	s20 =	simm.s32 @p1 $0x2  }
0x3f: {  	_ =	swait.ge @p1 [sflag:s20], $0x27200  }
0x40: {  	[sflag:s20] =	ssyncset.done @p1 $0x0  }
0x41: {  	[sflag:s20] =	ssyncadd.s32 @p1 $0xFFFD8E00  }
0x42: {  	_ =	sfence.sel $0x180000  }
0x43: {  	[bflag:$0x0] =	sbarrier.arrive $0xFFFF  }
0x44: {  	_ =	strace $0x90000047  }
0x45: {  	s0 =	sadd.s32 @!p0 $0x100000, s0;
	[bflag:$0x2] =	sbarrier.arrive $0xFFFF  }
0x46: {  	[sflag:s0] =	ssyncadd.tile.s32 @!p0 $0x1;
	_ =	shalt  }
.Lfunc_end2:
_tile_overlayer_lowered:
.L_overlay_start_2:
0x47: {  	(tag) =	ssettag $0x2  }
0x48: {  	s0 =	rddreg [dreg:$0x0];
	s2 =	stileid.u32  }
0x49: {  	s1 =	rddreg [dreg:$0x1];
	p0 =	sne.s32 s2, $0x0  }
0x4a: {  	s3 =	rddreg [dreg:$0x2];
	[bflag:$0x3] =	sbarrier.arrive $0xFFFF;
	s2 =	simm.s32 @!p0 $0x1C02  }
0x4b: {  	[timem:s3], [sflag:s2] =	dma.local @!p0 [hbm:s0], s1  }
0x4c: {  	s0 =	simm.s32 @!p0 $0x2  }
0x4d: {  	_ =	swait.ge @!p0 [sflag:s0], s1  }
0x4e: {  	s1 =	ssub.s32 @!p0 $0x0, s1;
	[sflag:s0] =	ssyncset.done @!p0 $0x0  }
0x4f: {  	[sflag:s0] =	ssyncadd.s32 @!p0 s1  }
0x50: {  	[bflag:$0x3] =	sbarrier.arrive $0xFFFF  }
0x51: {  	_ =	shalt  }

// kernel: kernel.23.cloned.1.call-start
scs
__scs_entry_jumppad:
0x0: {  	(pc) =	sbr.rel $0x88, $3  }
0x1: {  	(tag) =	ssettag $0x0;
	lr =	simm.s32 $0x1  }
0x2: {  	[smem:$0x3F97] =	sst lr;
	_ =	strace $0xD0000000  }
0x3: {  	_ = 	snop  }
0x4: {  	_ = 	snop  }
0x5: {  	_ = 	snop  }
0x6: {  	_ = 	snop  }
0x7: {  	_ = 	snop  }
__scs_overlays_trampoline_lowered:
0x8: {  	[smem:$0x3FA6] =	sst s0  }
0x9: {  	[smem:$0x3FA7] =	sst s1  }
0xa: {  	[smem:$0x3FA8] =	sst s2  }
0xb: {  	[smem:$0x3FA9] =	sst s3  }
0xc: {  	[smem:$0x3FAA] =	sst s4  }
0xd: {  	[smem:$0x3FAB] =	sst s5  }
0xe: {  	[smem:$0x3FAC] =	sst s6  }
0xf: {  	[smem:$0x3FAD] =	sst s7  }
0x10: {  	[smem:$0x3FAE] =	sst s8  }
0x11: {  	[smem:$0x3FAF] =	sst s9;
	s0 =	simm.s32 @!p0 $0x0  }
0x12: {  	s1 =	sld [smem:$0x3F95];
	s0 =	simm.s32 @p0 $0x1  }
0x13: {  	[smem:$0x3FB0] =	sst s0;
	s0 =	simm.s32 @!p1 $0x0  }
0x14: {  	s2 =	sld [smem:$0x3F94];
	s0 =	simm.s32 @p1 $0x1  }
0x15: {  	[smem:$0x3FB1] =	sst s0;
	s0 =	simm.s32 @!p2 $0x0  }
0x16: {  	s3 =	sld [smem:$0x3FDB];
	s0 =	simm.s32 @p2 $0x1  }
0x17: {  	s4 =	simm.s32 $0x1BF5;
	[smem:$0x3FB3] =	sst s0  }
0x18: {  	s0 =	sld [smem:$0x3F96];
	_ =	swait.ge [sflag:s4], $0x0  }
0x19: {  	s7 =	sld [smem:$0x3F97]  }
0x1a: {  	s8 =	sadd.s32 $0xFFFFE003, lr  }
0x1b: {  	s9 =	sadd.s32 $0xFFFFFEF7, lr;
	s5 =	simm.s32 $0xFFFFFFFF;
	p2 =	slt.u32 s8, $0xFFFFF086  }
0x1c: {  	p1 =	slt.u32 s9, $0xF7A;
	s5 =	simm.s32 @!p2 $0x0  }
0x1d: {  	s5 =	simm.s32 @p1 $0x1;
	p0 =	seq.s32 s7, s2  }
0x1e: {  	s7 =	smul.u32 @!p0 $0xF7A, s2;
	p2 =	seq.s32 @!p0 s5, $0x0  }
0x1f: {  	s9 =	smul.u32 $0xF7A, s1;
	s8 =	simm.s32 @!p0 $0x1BF5;
	p2 =	por !p2, p0  }
0x20: {  	[sflag:s8] =	ssyncset.s32 @!p0 $0xFFFFF086;
	s6 =	sadd.s32 @!p0 s3, s7;
	s7 =	simm.s32 @!p0 $0x108  }
0x21: {  	s3 =	sadd.s32 s3, s9;
	s6 =	sadd.s32 @!p0 $0x88, s6;
	s7 =	simm.s32 @p2 $0x1082  }
0x22: {  	[simem:s7], [sflag:s8] =	dma.local @!p0 [hbm:s6], $0xF7A  }
0x23: {  	s9 =	sor.u32 $0xD0000000, s2;
	s6 =	simm.s32 $0x108;
	_ =	swait.ge @!p0 [sflag:s8], $0x0  }
0x24: {  	s3 =	sadd.s32 $0x88, s3;
	s6 =	simm.s32 @!p1 $0x1082;
	[sflag:s4] =	ssyncset.s32 $0xFFFFF086  }
0x25: {  	[simem:s6], [sflag:s4] =	dma.local [hbm:s3], $0xF7A  }
0x26: {  	[smem:$0x3F97] =	sst s1;
	(tag) =	ssettag s2;
	_ =	strace s9  }
0x27: {  	s1 =	sld [smem:$0x3FA7]  }
0x28: {  	s2 =	sld [smem:$0x3FA8]  }
0x29: {  	s4 =	sld [smem:$0x3FAA]  }
0x2a: {  	p0 =	seq.s32 s5, $0x0;
	s5 =	sld [smem:$0x3FAB]  }
0x2b: {  	s6 =	sld [smem:$0x3FAC]  }
0x2c: {  	s7 =	sld [smem:$0x3FAD]  }
0x2d: {  	s3 =	simm.s32 $0x108;
	s8 =	sld [smem:$0x3FAE]  }
0x2e: {  	s3 =	simm.s32 @!p0 $0x1082;
	s9 =	sld [smem:$0x3FAF]  }
0x2f: {  	lr =	sadd.s32 s0, s3;
	s0 =	sld [smem:$0x3FA6]  }
0x30: {  	s3 =	sld [smem:$0x3FA9]  }
0x31: {  	[smem:$0x3FB2] =	sst s10  }
0x32: {  	s10 =	sld [smem:$0x3FB0];
	_ =	sdelay $0x3  }
0x33: {  	p0 =	seq.s32 s10, $0x1;
	s10 =	sld [smem:$0x3FB2];
	_ =	sdelay $0x3  }
0x34: {  	[smem:$0x3FB2] =	sst s10  }
0x35: {  	s10 =	sld [smem:$0x3FB1];
	_ =	sdelay $0x3  }
0x36: {  	p1 =	seq.s32 s10, $0x1;
	s10 =	sld [smem:$0x3FB2];
	_ =	sdelay $0x3  }
0x37: {  	[smem:$0x3FB2] =	sst s10  }
0x38: {  	s10 =	sld [smem:$0x3FB3]  }
0x39: {  	_ = 	snop;
	(pc) =	sbr.ind lr, $3  }
0x3a: {  	_ = 	snop  }
0x3b: {  	_ = 	snop  }
0x3c: {  	p2 =	seq.s32 s10, $0x1;
	s10 =	sld [smem:$0x3FB2]  }
0x3d: {  	_ =	shalt  }
0x3e: {  	_ =	shalt  }
0x3f: {  	_ =	shalt  }
0x40: {  	_ =	shalt  }
0x41: {  	_ =	shalt  }
0x42: {  	_ =	shalt  }
0x43: {  	_ =	shalt  }
0x44: {  	_ =	shalt  }
0x45: {  	_ =	shalt  }
0x46: {  	_ =	shalt  }
0x47: {  	_ =	shalt  }
0x48: {  	_ =	shalt  }
0x49: {  	_ =	shalt  }
0x4a: {  	_ =	shalt  }
0x4b: {  	_ =	shalt  }
0x4c: {  	_ =	shalt  }
0x4d: {  	_ =	shalt  }
0x4e: {  	_ =	shalt  }
0x4f: {  	_ =	shalt  }
0x50: {  	_ =	shalt  }
0x51: {  	_ =	shalt  }
0x52: {  	_ =	shalt  }
0x53: {  	_ =	shalt  }
0x54: {  	_ =	shalt  }
0x55: {  	_ =	shalt  }
0x56: {  	_ =	shalt  }
0x57: {  	_ =	shalt  }
0x58: {  	_ =	shalt  }
0x59: {  	_ =	shalt  }
0x5a: {  	_ =	shalt  }
0x5b: {  	_ =	shalt  }
0x5c: {  	_ =	shalt  }
0x5d: {  	_ =	shalt  }
0x5e: {  	_ =	shalt  }
0x5f: {  	_ =	shalt  }
0x60: {  	_ =	shalt  }
0x61: {  	_ =	shalt  }
0x62: {  	_ =	shalt  }
0x63: {  	_ =	shalt  }
0x64: {  	_ =	shalt  }
0x65: {  	_ =	shalt  }
0x66: {  	_ =	shalt  }
0x67: {  	_ =	shalt  }
0x68: {  	_ =	shalt  }
0x69: {  	_ =	shalt  }
0x6a: {  	_ =	shalt  }
0x6b: {  	_ =	shalt  }
0x6c: {  	_ =	shalt  }
0x6d: {  	_ =	shalt  }
0x6e: {  	_ =	shalt  }
0x6f: {  	_ =	shalt  }
0x70: {  	_ =	shalt  }
0x71: {  	_ =	shalt  }
0x72: {  	_ =	shalt  }
0x73: {  	_ =	shalt  }
0x74: {  	_ =	shalt  }
0x75: {  	_ =	shalt  }
0x76: {  	_ =	shalt  }
0x77: {  	_ =	shalt  }
0x78: {  	_ =	shalt  }
0x79: {  	_ =	shalt  }
0x7a: {  	_ =	shalt  }
0x7b: {  	_ =	shalt  }
0x7c: {  	_ =	shalt  }
0x7d: {  	_ =	shalt  }
0x7e: {  	_ =	shalt  }
0x7f: {  	_ =	shalt  }
0x80: {  	_ =	shalt  }
0x81: {  	_ =	shalt  }
0x82: {  	_ =	shalt  }
0x83: {  	_ =	shalt  }
0x84: {  	_ =	shalt  }
0x85: {  	_ =	shalt  }
0x86: {  	_ =	shalt  }
0x87: {  	_ =	shalt  }
.Lfunc_end0:
.L_simem_size_0:
called_computation.2_lowered:
.L_overlay_start_0:
0x88: {  	s2 =	sld [smem:$0x3FD9]  }
0x89: {  	s3 =	sld [smem:$0x3FFE];
	_ =	sdelay $0x1  }
0x8a: {  	s1 =	srdreg.scid  }
0x8b: {  	s0 =	sand.u32 $0x1, s1  }
0x8c: {  	s16 =	sshll.u32 s0, $0xA;
	s2 =	sadd.s32 s3, s2  }
0x8d: {  	s2 =	sadd.s32 s2, s16  }
0x8e: {  	[smem:$0x3FBE] =	sst s2  }
0x8f: {  	_ = 	snop  }
0x90: {  	(tm) =	ssettm $0x1  }
0x91: {  	s17 =	sld [smem:$0x3FFB];
	_ =	sdelay $0x3  }
0x92: {  	_ =	strace s17  }
0x93: {  	s2 =	sld [smem:$0x3FFC];
	_ =	sdelay $0x3  }
0x94: {  	_ =	strace s2  }
0x95: {  	s2 =	sld [smem:$0x3FFD];
	_ =	sdelay $0x3  }
0x96: {  	_ =	strace s2  }
0x97: {  	_ =	strace $0x8FFFFFFF  }
0x98: {  	s18 =	sld [smem:$0x3FDB];
	_ =	sdelay $0x1  }
0x99: {  	s19 =	simm.s32 $_scs_section_size  }
0x9a: {  	s4 =	simm.s32 $_size__tile_overlayer_lowered;
	s5 =	simm.s32 $_tile_overlayer_lowered  }
0x9b: {  	s22 =	simm.s32 $0x1BFF;
	s21 =	sshll.u32 s5, $0x1;
	s2 =	sadd.s32 s19, s18  }
0x9c: {  	s6 =	simm.s32 $0x0;
	s20 =	sshll.u32 s4, $0x1;
	s4 =	sadd.s32 s21, s2  }
0x9d: {  	[timem:s6], [sflag:s22] =	dma.local [hbm:s4], s20  }
0x9e: {  	_ =	swait.ge [sflag:s22], s20  }
0x9f: {  	s3 =	ssub.s32 $0x0, s20;
	[sflag:s22] =	ssyncset.done $0x0  }
0xa0: {  	[sflag:s22] =	ssyncadd.s32 s3;
	_ =	sdelay $0x1  }
0xa1: {  	s23 =	simm.s32 $0x1B8B  }
0xa2: {  	_ =	swait.ge [sflag:s23], $0x1  }
0xa3: {  	[sflag:s23] =	ssyncset.done $0x0  }
0xa4: {  	s25 =	simm.s32 $0x1B8E;
	s24 =	sld [smem:$0x3FFE];
	[sflag:s23] =	ssyncadd.s32 $0xFFFFFFFF  }
0xa5: {  	s26 =	simm.s32 $execute0_lowered;
	[smem:$0x3FD2] =	sst s25  }
0xa6: {  	s4 =	sshll.u32 s26, $0x1;
	_ =	strace $0x8000004C;
	[dreg:$0x1] =	wrdreg $0xFFFFFFFF  }
0xa7: {  	s28 =	simm.s32 $_size_execute0_lowered;
	s2 =	sadd.s32 s2, s4;
	[dreg:$0x0] =	wrdreg $0x0  }
0xa8: {  	s4 =	sshll.u32 s28, $0x1;
	[dreg:$0x2] =	wrdreg s2  }
0xa9: {  	[dreg:$0x3] =	wrdreg s4  }
0xaa: {  	[dreg:$0x4] =	wrdreg $0xC0  }
0xab: {  	_ =	task [dreg:s6], $0x5FFFF  }
0xac: {  	[dreg:$0x1] =	wrdreg $0xFFFFFFFF  }
0xad: {  	[dreg:$0x0] =	wrdreg $0x60  }
0xae: {  	[dreg:$0x2] =	wrdreg s24  }
0xaf: {  	[dreg:$0x3] =	wrdreg $0x90000  }
0xb0: {  	[dreg:$0x4] =	wrdreg $0x9  }
0xb1: {  	_ =	task.clear_ibuf [dreg:s6], $0x5FFFF;
	_ =	strace $0x9000004C  }
0xb2: {  	s29 =	simm.s32 $0x9;
	_ =	strace $0x8000004E  }
0xb3: {  	_ =	swait.ge [sflag:s29], $0x1  }
0xb4: {  	[sflag:s29] =	ssyncadd.s32 $0xFFFFFFFF  }
0xb5: {  	_ =	strace $0x9000004E  }
0xb6: {  	_ =	sfence  }
0xb7: {  	s30 =	sld [smem:$0x0];
	_ =	sdelay $0x2  }
0xb8: {  	s31 =	sshll.u32 s1, $0xD;
	s1 =	sshrl.u32 s1, $0x2  }
0xb9: {  	s3 =	sand.u32 $0x4000, s31;
	s1 =	sadd.s32 s1, s30  }
0xba: {  	s0 =	sor.u32 s3, s0;
	s1 =	sshll.u32 s1, $0x11  }
0xbb: {  	s0 =	sor.u32 s1, s0  }
0xbc: {  	s0 =	sadd.s32 $0x8F2B, s0  }
0xbd: {  	[sflag:s0] =	ssyncadd.remote.s32 $0x1  }
0xbe: {  	_ =	sfence.sel $0xFFFF  }
0xbf: {  	[dreg:$0x0] =	wrdreg $0xFFFFFFFF;
	(pc) =	sbr.abs _section_cstart, $3  }
0xc0: {  	[dreg:$0x1] =	wrdreg $0xFFFFFFFF  }
0xc1: {  	_ =	task.clear_ibuf [dreg:s6], $0x2FFFF;
	_ =	strace $0x9FFFFFFF  }
0xc2: {  	(tm) =	ssettm $0x7FFFFFFF  }
0xc3: {  	_ =	shalt  }
tec
execute0_lowered:
.L_overlay_start_1:
0x0: {  	(tag) =	ssettag $0x1  }
0x1: {  	s0 =	srdreg.scid;
	s6 =	rddreg [dreg:$0x0]  }
0x2: {  	s1 =	rddreg [dreg:$0x1];
	s14 =	stileid.u32;
	s2 =	simm.s32 $0x0  }
0x3: {  	s11 =	simm.s32 $0x2;
	s13 =	simm.s32 $0x80;
	s15 =	simm.s32 $0x1  }
0x4: {  	s19 =	simm.s32 $0x0;
	s9 =	sand.u32 $0x1, s0;
	s0 =	rddreg [dreg:$0x2]  }
0x5: {  	[smem:$0x7FF] =	sst s2;
	s5 =	sadd.s32 $0x69E00, s6;
	p0 =	seq.s32 s14, $0x0  }
0x6: {  	s3 =	sshll.u32 s9, $0x4;
	_ =	strace $0x8000004D;
	s7 =	ssub.s32 $0x2, s9  }
0x7: {  	p1 =	seq.s32 s9, $0x1;
	s12 =	sor.u32 s9, s14;
	s3 =	sor.u32 s14, s3  }
0x8: {  	s10 =	sshrl.u32 s7, $0x1;
	p0 =	por !p0, !p1;
	p2 =	sne.s32 s12, $0x0  }
0x9: {  	s12 =	simm.s32 $0x2800;
	s4 =	smul.u32 $0x500, s3;
	s3 =	sadd.s32 $0x1BA00, s6  }
0xa: {  	s10 =	ssub.s32 s7, s10;
	p1 =	por !p0, !p0;
	p0 =	sne.s32 s14, $0x0  }
0xb: {  	s16 =	sshll.u32 @!p2 s14, $0x6;
	s14 =	simm.s32 $0x5000;
	s17 =	sshrl.u32 @!p2 s1, $0x3  }
0xc: {  	s9 =	smax.u32 s10, $0x1;
	s10 =	sshrl.u32 @!p0 s1, $0x3;
	s16 =	sor.u32 @!p2 $0x1C02, s16  }
0xd: {  	s18 =	sshrl.u32 @p1 s1, $0x3;
	s8 =	sadd.s32 s4, s6;
	s4 =	sadd.s32 $0x42C00, s6  }
0xe: {  	s6 =	sadd.s32 $0x91000, s6;
	s7 =	sadd.s32 $0x11A00, s8;
	s8 =	sadd.s32 $0x7A00, s8  }
.LBB2_1:
0xf: {  	s20 =	simm.s32 @!p0 $0x1C02  }
0x10: {  	[spmem:s10], [sflag:s20] =	dma.local @!p0 [hbm:s4], $0x27200  }
0x11: {  	s20 =	simm.s32 @!p0 $0x2  }
0x12: {  	_ =	swait.ge @!p0 [sflag:s20], $0x27200  }
0x13: {  	[sflag:s20] =	ssyncset.done @!p0 $0x0  }
0x14: {  	[sflag:s20] =	ssyncadd.s32 @!p0 $0xFFFD8E00  }
0x15: {  	[bflag:$0x0] =	sbarrier.arrive $0xFFFF  }
0x16: {  	[tilespmem:s2], [sflag:$0x2] =	stream.linear.gather [hbm4b:s7+s2], $0x2780, $0x38;
	[tilespmem:$0x1C900] =	vst v63  }
0x17: {  	_ =	swait.ge [sflag:s11], $0x2780  }
0x18: {  	[sflag:s11] =	ssyncset.done $0x0  }
0x19: {  	[sflag:s11] =	ssyncadd.s32 $0xFFFFD880  }
0x1a: {  	[tilespmem:s12], [sflag:$0x2] =	stream.linear.gather [hbm4b:s8+s2], $0x2780, $0x38;
	[tilespmem:$0x1C900] =	vst v63  }
0x1b: {  	_ =	swait.ge [sflag:s11], $0x2780  }
0x1c: {  	[sflag:s11] =	ssyncset.done $0x0  }
0x1d: {  	s30 =	simm.s32 $0x0;
	[sflag:s11] =	ssyncadd.s32 $0xFFFFD880  }
0x1e: {  	[tilespmem:s14], [sflag:$0x1] =	stream.indirect.gather [hbm4b:s3+s13], $0x80, s30, s13, $0xb8;
	[tilespmem:$0x1C900] =	vst v63  }
0x1f: {  	_ =	swait.ge [sflag:s15], $0x4000  }
0x20: {  	[sflag:s15] =	ssyncset.done $0x0  }
0x21: {  	s31 =	simm.s32 $0x2800;
	[sflag:s15] =	ssyncadd.s32 $0xFFFFC000  }
0x22: {  	[spmem:s1] =	stream.indirect.scatter.add.f32 [tilespmem:s14], [sflag:$0x2], $0x80, s31, s13, $0xb8;
	[tilespmem:$0x1C900] =	vst v63  }
0x23: {  	_ =	swait.ge [sflag:s11], $0x4000  }
0x24: {  	s21 =	simm.s32 $0x400;
	s20 =	simm.s32 $0x200;
	[sflag:s11] =	ssyncset.done $0x0  }
.LBB2_2:
0x25: {  	s22 =	sshra.s32 s20, $0x2  }
0x26: {  	[sflag:s11] =	ssyncadd.s32 $0xFFFFC000;
	s20 =	smov.u32 s21;
	s23 =	sadd.s32 $0x200, s21  }
0x27: {  	[tilespmem:s14], [sflag:$0x1] =	stream.indirect.gather [hbm4b:s3+s13], $0x80, s22, s13, $0xb8;
	[tilespmem:$0x1C900] =	vst v63  }
0x28: {  	p3 =	sne.s32 s21, $0x9C00;
	_ =	swait.ge [sflag:s15], $0x4000  }
.Ltmp0:
0x29: {  	[sflag:s15] =	ssyncset.done $0x0;
	(pc) =	sbr.rel @p3 .LBB2_2-.Ltmp0, $4  }
0x2a: {  	s21 =	sadd.s32 $0x2800, s22;
	[sflag:s15] =	ssyncadd.s32 $0xFFFFC000  }
0x2b: {  	[spmem:s1] =	stream.indirect.scatter.add.f32 [tilespmem:s14], [sflag:$0x2], $0x80, s21, s13, $0xb8;
	[tilespmem:$0x1C900] =	vst v63  }
0x2c: {  	_ =	swait.ge [sflag:s11], $0x4000  }
0x2d: {  	s21 =	smov.u32 s23;
	[sflag:s11] =	ssyncset.done $0x0  }
0x2e: {  	s20 =	sshra.s32 s20, $0x2;
	[sflag:s11] =	ssyncadd.s32 $0xFFFFC000  }
0x2f: {  	[tilespmem:s14], [sflag:$0x1] =	stream.indirect.gather [hbm4b:s3+s13], $0x80, s20, s13, $0xb8;
	[tilespmem:$0x1C900] =	vst v63  }
0x30: {  	_ =	swait.ge [sflag:s15], $0x4000  }
0x31: {  	[sflag:s15] =	ssyncset.done $0x0  }
0x32: {  	s20 =	sadd.s32 $0x2800, s20;
	[sflag:s15] =	ssyncadd.s32 $0xFFFFC000  }
0x33: {  	[spmem:s1] =	stream.indirect.scatter.add.f32 [tilespmem:s14], [sflag:$0x2], $0x80, s20, s13, $0xb8;
	[tilespmem:$0x1C900] =	vst v63  }
0x34: {  	_ =	swait.ge [sflag:s11], $0x4000  }
0x35: {  	[sflag:s11] =	ssyncset.done $0x0  }
0x36: {  	[sflag:s11] =	ssyncadd.s32 $0xFFFFC000  }
0x37: {  	s20 =	simm.s32 @!p2 $0x2;
	[bflag:$0x0] =	sbarrier.arrive $0xFFFF  }
0x38: {  	[hbm:s5], [sflag:s16] =	dma.local @!p2 [spmem:s17], $0x27200  }
0x39: {  	_ =	swait.ge @!p2 [sflag:s20], $0x27200  }
0x3a: {  	s19 =	sadd.s32 $0x1, s19;
	[sflag:s20] =	ssyncset.done @!p2 $0x0  }
0x3b: {  	p3 =	sne.s32 s19, s9;
	[sflag:s20] =	ssyncadd.s32 @!p2 $0xFFFD8E00;
	s20 =	simm.s32 @p1 $0x1C02  }
0x3c: {  	[hbm:s6], [sflag:s20] =	dma.local @p1 [spmem:s18], $0x27200  }
.Ltmp1:
0x3d: {  	_ = 	snop;
	(pc) =	sbr.rel @p3 .LBB2_1-.Ltmp1, $4  }
0x3e: {  	s20 =	simm.s32 @p1 $0x2  }
0x3f: {  	_ =	swait.ge @p1 [sflag:s20], $0x27200  }
0x40: {  	[sflag:s20] =	ssyncset.done @p1 $0x0  }
0x41: {  	[sflag:s20] =	ssyncadd.s32 @p1 $0xFFFD8E00  }
0x42: {  	_ =	sfence.sel $0x180000  }
0x43: {  	[bflag:$0x0] =	sbarrier.arrive $0xFFFF  }
0x44: {  	_ =	strace $0x9000004D  }
0x45: {  	s0 =	sadd.s32 @!p0 $0x100000, s0;
	[bflag:$0x2] =	sbarrier.arrive $0xFFFF  }
0x46: {  	[sflag:s0] =	ssyncadd.tile.s32 @!p0 $0x1;
	_ =	shalt  }
.Lfunc_end2:
_tile_overlayer_lowered:
.L_overlay_start_2:
0x47: {  	(tag) =	ssettag $0x2  }
0x48: {  	s0 =	rddreg [dreg:$0x0];
	s2 =	stileid.u32  }
0x49: {  	s1 =	rddreg [dreg:$0x1];
	p0 =	sne.s32 s2, $0x0  }
0x4a: {  	s3 =	rddreg [dreg:$0x2];
	[bflag:$0x3] =	sbarrier.arrive $0xFFFF;
	s2 =	simm.s32 @!p0 $0x1C02  }
0x4b: {  	[timem:s3], [sflag:s2] =	dma.local @!p0 [hbm:s0], s1  }
0x4c: {  	s0 =	simm.s32 @!p0 $0x2  }
0x4d: {  	_ =	swait.ge @!p0 [sflag:s0], s1  }
0x4e: {  	s1 =	ssub.s32 @!p0 $0x0, s1;
	[sflag:s0] =	ssyncset.done @!p0 $0x0  }
0x4f: {  	[sflag:s0] =	ssyncadd.s32 @!p0 s1  }
0x50: {  	[bflag:$0x3] =	sbarrier.arrive $0xFFFF  }
0x51: {  	_ =	shalt  }

// kernel: kernel.26.cloned.1.call-start
scs
__scs_entry_jumppad:
0x0: {  	(pc) =	sbr.rel $0x88, $3  }
0x1: {  	(tag) =	ssettag $0x0;
	lr =	simm.s32 $0x1  }
0x2: {  	[smem:$0x3F97] =	sst lr;
	_ =	strace $0xD0000000  }
0x3: {  	_ = 	snop  }
0x4: {  	_ = 	snop  }
0x5: {  	_ = 	snop  }
0x6: {  	_ = 	snop  }
0x7: {  	_ = 	snop  }
__scs_overlays_trampoline_lowered:
0x8: {  	[smem:$0x3FA6] =	sst s0  }
0x9: {  	[smem:$0x3FA7] =	sst s1  }
0xa: {  	[smem:$0x3FA8] =	sst s2  }
0xb: {  	[smem:$0x3FA9] =	sst s3  }
0xc: {  	[smem:$0x3FAA] =	sst s4  }
0xd: {  	[smem:$0x3FAB] =	sst s5  }
0xe: {  	[smem:$0x3FAC] =	sst s6  }
0xf: {  	[smem:$0x3FAD] =	sst s7  }
0x10: {  	[smem:$0x3FAE] =	sst s8  }
0x11: {  	[smem:$0x3FAF] =	sst s9;
	s0 =	simm.s32 @!p0 $0x0  }
0x12: {  	s1 =	sld [smem:$0x3F95];
	s0 =	simm.s32 @p0 $0x1  }
0x13: {  	[smem:$0x3FB0] =	sst s0;
	s0 =	simm.s32 @!p1 $0x0  }
0x14: {  	s2 =	sld [smem:$0x3F94];
	s0 =	simm.s32 @p1 $0x1  }
0x15: {  	[smem:$0x3FB1] =	sst s0;
	s0 =	simm.s32 @!p2 $0x0  }
0x16: {  	s3 =	sld [smem:$0x3FDB];
	s0 =	simm.s32 @p2 $0x1  }
0x17: {  	s4 =	simm.s32 $0x1BF5;
	[smem:$0x3FB3] =	sst s0  }
0x18: {  	s0 =	sld [smem:$0x3F96];
	_ =	swait.ge [sflag:s4], $0x0  }
0x19: {  	s7 =	sld [smem:$0x3F97]  }
0x1a: {  	s8 =	sadd.s32 $0xFFFFE003, lr  }
0x1b: {  	s9 =	sadd.s32 $0xFFFFFEF7, lr;
	s5 =	simm.s32 $0xFFFFFFFF;
	p2 =	slt.u32 s8, $0xFFFFF086  }
0x1c: {  	p1 =	slt.u32 s9, $0xF7A;
	s5 =	simm.s32 @!p2 $0x0  }
0x1d: {  	s5 =	simm.s32 @p1 $0x1;
	p0 =	seq.s32 s7, s2  }
0x1e: {  	s7 =	smul.u32 @!p0 $0xF7A, s2;
	p2 =	seq.s32 @!p0 s5, $0x0  }
0x1f: {  	s9 =	smul.u32 $0xF7A, s1;
	s8 =	simm.s32 @!p0 $0x1BF5;
	p2 =	por !p2, p0  }
0x20: {  	[sflag:s8] =	ssyncset.s32 @!p0 $0xFFFFF086;
	s6 =	sadd.s32 @!p0 s3, s7;
	s7 =	simm.s32 @!p0 $0x108  }
0x21: {  	s3 =	sadd.s32 s3, s9;
	s6 =	sadd.s32 @!p0 $0x88, s6;
	s7 =	simm.s32 @p2 $0x1082  }
0x22: {  	[simem:s7], [sflag:s8] =	dma.local @!p0 [hbm:s6], $0xF7A  }
0x23: {  	s9 =	sor.u32 $0xD0000000, s2;
	s6 =	simm.s32 $0x108;
	_ =	swait.ge @!p0 [sflag:s8], $0x0  }
0x24: {  	s3 =	sadd.s32 $0x88, s3;
	s6 =	simm.s32 @!p1 $0x1082;
	[sflag:s4] =	ssyncset.s32 $0xFFFFF086  }
0x25: {  	[simem:s6], [sflag:s4] =	dma.local [hbm:s3], $0xF7A  }
0x26: {  	[smem:$0x3F97] =	sst s1;
	(tag) =	ssettag s2;
	_ =	strace s9  }
0x27: {  	s1 =	sld [smem:$0x3FA7]  }
0x28: {  	s2 =	sld [smem:$0x3FA8]  }
0x29: {  	s4 =	sld [smem:$0x3FAA]  }
0x2a: {  	p0 =	seq.s32 s5, $0x0;
	s5 =	sld [smem:$0x3FAB]  }
0x2b: {  	s6 =	sld [smem:$0x3FAC]  }
0x2c: {  	s7 =	sld [smem:$0x3FAD]  }
0x2d: {  	s3 =	simm.s32 $0x108;
	s8 =	sld [smem:$0x3FAE]  }
0x2e: {  	s3 =	simm.s32 @!p0 $0x1082;
	s9 =	sld [smem:$0x3FAF]  }
0x2f: {  	lr =	sadd.s32 s0, s3;
	s0 =	sld [smem:$0x3FA6]  }
0x30: {  	s3 =	sld [smem:$0x3FA9]  }
0x31: {  	[smem:$0x3FB2] =	sst s10  }
0x32: {  	s10 =	sld [smem:$0x3FB0];
	_ =	sdelay $0x3  }
0x33: {  	p0 =	seq.s32 s10, $0x1;
	s10 =	sld [smem:$0x3FB2];
	_ =	sdelay $0x3  }
0x34: {  	[smem:$0x3FB2] =	sst s10  }
0x35: {  	s10 =	sld [smem:$0x3FB1];
	_ =	sdelay $0x3  }
0x36: {  	p1 =	seq.s32 s10, $0x1;
	s10 =	sld [smem:$0x3FB2];
	_ =	sdelay $0x3  }
0x37: {  	[smem:$0x3FB2] =	sst s10  }
0x38: {  	s10 =	sld [smem:$0x3FB3]  }
0x39: {  	_ = 	snop;
	(pc) =	sbr.ind lr, $3  }
0x3a: {  	_ = 	snop  }
0x3b: {  	_ = 	snop  }
0x3c: {  	p2 =	seq.s32 s10, $0x1;
	s10 =	sld [smem:$0x3FB2]  }
0x3d: {  	_ =	shalt  }
0x3e: {  	_ =	shalt  }
0x3f: {  	_ =	shalt  }
0x40: {  	_ =	shalt  }
0x41: {  	_ =	shalt  }
0x42: {  	_ =	shalt  }
0x43: {  	_ =	shalt  }
0x44: {  	_ =	shalt  }
0x45: {  	_ =	shalt  }
0x46: {  	_ =	shalt  }
0x47: {  	_ =	shalt  }
0x48: {  	_ =	shalt  }
0x49: {  	_ =	shalt  }
0x4a: {  	_ =	shalt  }
0x4b: {  	_ =	shalt  }
0x4c: {  	_ =	shalt  }
0x4d: {  	_ =	shalt  }
0x4e: {  	_ =	shalt  }
0x4f: {  	_ =	shalt  }
0x50: {  	_ =	shalt  }
0x51: {  	_ =	shalt  }
0x52: {  	_ =	shalt  }
0x53: {  	_ =	shalt  }
0x54: {  	_ =	shalt  }
0x55: {  	_ =	shalt  }
0x56: {  	_ =	shalt  }
0x57: {  	_ =	shalt  }
0x58: {  	_ =	shalt  }
0x59: {  	_ =	shalt  }
0x5a: {  	_ =	shalt  }
0x5b: {  	_ =	shalt  }
0x5c: {  	_ =	shalt  }
0x5d: {  	_ =	shalt  }
0x5e: {  	_ =	shalt  }
0x5f: {  	_ =	shalt  }
0x60: {  	_ =	shalt  }
0x61: {  	_ =	shalt  }
0x62: {  	_ =	shalt  }
0x63: {  	_ =	shalt  }
0x64: {  	_ =	shalt  }
0x65: {  	_ =	shalt  }
0x66: {  	_ =	shalt  }
0x67: {  	_ =	shalt  }
0x68: {  	_ =	shalt  }
0x69: {  	_ =	shalt  }
0x6a: {  	_ =	shalt  }
0x6b: {  	_ =	shalt  }
0x6c: {  	_ =	shalt  }
0x6d: {  	_ =	shalt  }
0x6e: {  	_ =	shalt  }
0x6f: {  	_ =	shalt  }
0x70: {  	_ =	shalt  }
0x71: {  	_ =	shalt  }
0x72: {  	_ =	shalt  }
0x73: {  	_ =	shalt  }
0x74: {  	_ =	shalt  }
0x75: {  	_ =	shalt  }
0x76: {  	_ =	shalt  }
0x77: {  	_ =	shalt  }
0x78: {  	_ =	shalt  }
0x79: {  	_ =	shalt  }
0x7a: {  	_ =	shalt  }
0x7b: {  	_ =	shalt  }
0x7c: {  	_ =	shalt  }
0x7d: {  	_ =	shalt  }
0x7e: {  	_ =	shalt  }
0x7f: {  	_ =	shalt  }
0x80: {  	_ =	shalt  }
0x81: {  	_ =	shalt  }
0x82: {  	_ =	shalt  }
0x83: {  	_ =	shalt  }
0x84: {  	_ =	shalt  }
0x85: {  	_ =	shalt  }
0x86: {  	_ =	shalt  }
0x87: {  	_ =	shalt  }
.Lfunc_end0:
.L_simem_size_0:
called_computation.3_lowered:
.L_overlay_start_0:
0x88: {  	s2 =	sld [smem:$0x3FD9]  }
0x89: {  	s3 =	sld [smem:$0x3FFE];
	_ =	sdelay $0x1  }
0x8a: {  	s1 =	srdreg.scid  }
0x8b: {  	s0 =	sand.u32 $0x1, s1  }
0x8c: {  	s16 =	sshll.u32 s0, $0xA;
	s2 =	sadd.s32 s3, s2  }
0x8d: {  	s2 =	sadd.s32 s2, s16  }
0x8e: {  	[smem:$0x3FBE] =	sst s2  }
0x8f: {  	_ = 	snop  }
0x90: {  	(tm) =	ssettm $0x1  }
0x91: {  	s17 =	sld [smem:$0x3FFB];
	_ =	sdelay $0x3  }
0x92: {  	_ =	strace s17  }
0x93: {  	s2 =	sld [smem:$0x3FFC];
	_ =	sdelay $0x3  }
0x94: {  	_ =	strace s2  }
0x95: {  	s2 =	sld [smem:$0x3FFD];
	_ =	sdelay $0x3  }
0x96: {  	_ =	strace s2  }
0x97: {  	_ =	strace $0x8FFFFFFF  }
0x98: {  	s18 =	sld [smem:$0x3FDB];
	_ =	sdelay $0x1  }
0x99: {  	s19 =	simm.s32 $_scs_section_size  }
0x9a: {  	s4 =	simm.s32 $_size__tile_overlayer_lowered;
	s5 =	simm.s32 $_tile_overlayer_lowered  }
0x9b: {  	s22 =	simm.s32 $0x1BFF;
	s21 =	sshll.u32 s5, $0x1;
	s2 =	sadd.s32 s19, s18  }
0x9c: {  	s6 =	simm.s32 $0x0;
	s20 =	sshll.u32 s4, $0x1;
	s4 =	sadd.s32 s21, s2  }
0x9d: {  	[timem:s6], [sflag:s22] =	dma.local [hbm:s4], s20  }
0x9e: {  	_ =	swait.ge [sflag:s22], s20  }
0x9f: {  	s3 =	ssub.s32 $0x0, s20;
	[sflag:s22] =	ssyncset.done $0x0  }
0xa0: {  	[sflag:s22] =	ssyncadd.s32 s3;
	_ =	sdelay $0x1  }
0xa1: {  	s23 =	simm.s32 $0x1B8B  }
0xa2: {  	_ =	swait.ge [sflag:s23], $0x1  }
0xa3: {  	[sflag:s23] =	ssyncset.done $0x0  }
0xa4: {  	s25 =	simm.s32 $0x1B8E;
	s24 =	sld [smem:$0x3FFE];
	[sflag:s23] =	ssyncadd.s32 $0xFFFFFFFF  }
0xa5: {  	s26 =	simm.s32 $execute0_lowered;
	[smem:$0x3FD2] =	sst s25  }
0xa6: {  	s4 =	sshll.u32 s26, $0x1;
	_ =	strace $0x8000004F;
	[dreg:$0x1] =	wrdreg $0xFFFFFFFF  }
0xa7: {  	s28 =	simm.s32 $_size_execute0_lowered;
	s2 =	sadd.s32 s2, s4;
	[dreg:$0x0] =	wrdreg $0x0  }
0xa8: {  	s4 =	sshll.u32 s28, $0x1;
	[dreg:$0x2] =	wrdreg s2  }
0xa9: {  	[dreg:$0x3] =	wrdreg s4  }
0xaa: {  	[dreg:$0x4] =	wrdreg $0xC0  }
0xab: {  	_ =	task [dreg:s6], $0x5FFFF  }
0xac: {  	[dreg:$0x1] =	wrdreg $0xFFFFFFFF  }
0xad: {  	[dreg:$0x0] =	wrdreg $0x60  }
0xae: {  	[dreg:$0x2] =	wrdreg s24  }
0xaf: {  	[dreg:$0x3] =	wrdreg $0x90000  }
0xb0: {  	[dreg:$0x4] =	wrdreg $0x9  }
0xb1: {  	_ =	task.clear_ibuf [dreg:s6], $0x5FFFF;
	_ =	strace $0x9000004F  }
0xb2: {  	s29 =	simm.s32 $0x9;
	_ =	strace $0x80000051  }
0xb3: {  	_ =	swait.ge [sflag:s29], $0x1  }
0xb4: {  	[sflag:s29] =	ssyncadd.s32 $0xFFFFFFFF  }
0xb5: {  	_ =	strace $0x90000051  }
0xb6: {  	_ =	sfence  }
0xb7: {  	s30 =	sld [smem:$0x0];
	_ =	sdelay $0x2  }
0xb8: {  	s31 =	sshll.u32 s1, $0xD;
	s1 =	sshrl.u32 s1, $0x2  }
0xb9: {  	s3 =	sand.u32 $0x4000, s31;
	s1 =	sadd.s32 s1, s30  }
0xba: {  	s0 =	sor.u32 s3, s0;
	s1 =	sshll.u32 s1, $0x11  }
0xbb: {  	s0 =	sor.u32 s1, s0  }
0xbc: {  	s0 =	sadd.s32 $0x8F2B, s0  }
0xbd: {  	[sflag:s0] =	ssyncadd.remote.s32 $0x1  }
0xbe: {  	_ =	sfence.sel $0xFFFF  }
0xbf: {  	[dreg:$0x0] =	wrdreg $0xFFFFFFFF;
	(pc) =	sbr.abs _section_cstart, $3  }
0xc0: {  	[dreg:$0x1] =	wrdreg $0xFFFFFFFF  }
0xc1: {  	_ =	task.clear_ibuf [dreg:s6], $0x2FFFF;
	_ =	strace $0x9FFFFFFF  }
0xc2: {  	(tm) =	ssettm $0x7FFFFFFF  }
0xc3: {  	_ =	shalt  }
tec
execute0_lowered:
.L_overlay_start_1:
0x0: {  	(tag) =	ssettag $0x1  }
0x1: {  	s0 =	srdreg.scid;
	s6 =	rddreg [dreg:$0x0]  }
0x2: {  	s1 =	rddreg [dreg:$0x1];
	s14 =	stileid.u32;
	s2 =	simm.s32 $0x0  }
0x3: {  	s11 =	simm.s32 $0x2;
	s13 =	simm.s32 $0x80;
	s15 =	simm.s32 $0x1  }
0x4: {  	s19 =	simm.s32 $0x0;
	s9 =	sand.u32 $0x1, s0;
	s0 =	rddreg [dreg:$0x2]  }
0x5: {  	[smem:$0x7FF] =	sst s2;
	s5 =	sadd.s32 $0x69E00, s6;
	p0 =	seq.s32 s14, $0x0  }
0x6: {  	s3 =	sshll.u32 s9, $0x4;
	_ =	strace $0x80000050;
	s7 =	ssub.s32 $0x2, s9  }
0x7: {  	p1 =	seq.s32 s9, $0x1;
	s12 =	sor.u32 s9, s14;
	s3 =	sor.u32 s14, s3  }
0x8: {  	s10 =	sshrl.u32 s7, $0x1;
	p0 =	por !p0, !p1;
	p2 =	sne.s32 s12, $0x0  }
0x9: {  	s12 =	simm.s32 $0x2800;
	s4 =	smul.u32 $0x500, s3;
	s3 =	sadd.s32 $0x1BA00, s6  }
0xa: {  	s10 =	ssub.s32 s7, s10;
	p1 =	por !p0, !p0;
	p0 =	sne.s32 s14, $0x0  }
0xb: {  	s16 =	sshll.u32 @!p2 s14, $0x6;
	s14 =	simm.s32 $0x5000;
	s17 =	sshrl.u32 @!p2 s1, $0x3  }
0xc: {  	s9 =	smax.u32 s10, $0x1;
	s10 =	sshrl.u32 @!p0 s1, $0x3;
	s16 =	sor.u32 @!p2 $0x1C02, s16  }
0xd: {  	s18 =	sshrl.u32 @p1 s1, $0x3;
	s8 =	sadd.s32 s4, s6;
	s4 =	sadd.s32 $0x42C00, s6  }
0xe: {  	s6 =	sadd.s32 $0x91000, s6;
	s7 =	sadd.s32 $0x11A00, s8;
	s8 =	sadd.s32 $0x7A00, s8  }
.LBB2_1:
0xf: {  	s20 =	simm.s32 @!p0 $0x1C02  }
0x10: {  	[spmem:s10], [sflag:s20] =	dma.local @!p0 [hbm:s4], $0x27200  }
0x11: {  	s20 =	simm.s32 @!p0 $0x2  }
0x12: {  	_ =	swait.ge @!p0 [sflag:s20], $0x27200  }
0x13: {  	[sflag:s20] =	ssyncset.done @!p0 $0x0  }
0x14: {  	[sflag:s20] =	ssyncadd.s32 @!p0 $0xFFFD8E00  }
0x15: {  	[bflag:$0x0] =	sbarrier.arrive $0xFFFF  }
0x16: {  	[tilespmem:s2], [sflag:$0x2] =	stream.linear.gather [hbm4b:s7+s2], $0x2780, $0x38;
	[tilespmem:$0x1C900] =	vst v63  }
0x17: {  	_ =	swait.ge [sflag:s11], $0x2780  }
0x18: {  	[sflag:s11] =	ssyncset.done $0x0  }
0x19: {  	[sflag:s11] =	ssyncadd.s32 $0xFFFFD880  }
0x1a: {  	[tilespmem:s12], [sflag:$0x2] =	stream.linear.gather [hbm4b:s8+s2], $0x2780, $0x38;
	[tilespmem:$0x1C900] =	vst v63  }
0x1b: {  	_ =	swait.ge [sflag:s11], $0x2780  }
0x1c: {  	[sflag:s11] =	ssyncset.done $0x0  }
0x1d: {  	s30 =	simm.s32 $0x0;
	[sflag:s11] =	ssyncadd.s32 $0xFFFFD880  }
0x1e: {  	[tilespmem:s14], [sflag:$0x1] =	stream.indirect.gather [hbm4b:s3+s13], $0x80, s30, s13, $0xb8;
	[tilespmem:$0x1C900] =	vst v63  }
0x1f: {  	_ =	swait.ge [sflag:s15], $0x4000  }
0x20: {  	[sflag:s15] =	ssyncset.done $0x0  }
0x21: {  	s31 =	simm.s32 $0x2800;
	[sflag:s15] =	ssyncadd.s32 $0xFFFFC000  }
0x22: {  	[spmem:s1] =	stream.indirect.scatter.add.f32 [tilespmem:s14], [sflag:$0x2], $0x80, s31, s13, $0xb8;
	[tilespmem:$0x1C900] =	vst v63  }
0x23: {  	_ =	swait.ge [sflag:s11], $0x4000  }
0x24: {  	s21 =	simm.s32 $0x400;
	s20 =	simm.s32 $0x200;
	[sflag:s11] =	ssyncset.done $0x0  }
.LBB2_2:
0x25: {  	s22 =	sshra.s32 s20, $0x2  }
0x26: {  	[sflag:s11] =	ssyncadd.s32 $0xFFFFC000;
	s20 =	smov.u32 s21;
	s23 =	sadd.s32 $0x200, s21  }
0x27: {  	[tilespmem:s14], [sflag:$0x1] =	stream.indirect.gather [hbm4b:s3+s13], $0x80, s22, s13, $0xb8;
	[tilespmem:$0x1C900] =	vst v63  }
0x28: {  	p3 =	sne.s32 s21, $0x9C00;
	_ =	swait.ge [sflag:s15], $0x4000  }
.Ltmp0:
0x29: {  	[sflag:s15] =	ssyncset.done $0x0;
	(pc) =	sbr.rel @p3 .LBB2_2-.Ltmp0, $4  }
0x2a: {  	s21 =	sadd.s32 $0x2800, s22;
	[sflag:s15] =	ssyncadd.s32 $0xFFFFC000  }
0x2b: {  	[spmem:s1] =	stream.indirect.scatter.add.f32 [tilespmem:s14], [sflag:$0x2], $0x80, s21, s13, $0xb8;
	[tilespmem:$0x1C900] =	vst v63  }
0x2c: {  	_ =	swait.ge [sflag:s11], $0x4000  }
0x2d: {  	s21 =	smov.u32 s23;
	[sflag:s11] =	ssyncset.done $0x0  }
0x2e: {  	s20 =	sshra.s32 s20, $0x2;
	[sflag:s11] =	ssyncadd.s32 $0xFFFFC000  }
0x2f: {  	[tilespmem:s14], [sflag:$0x1] =	stream.indirect.gather [hbm4b:s3+s13], $0x80, s20, s13, $0xb8;
	[tilespmem:$0x1C900] =	vst v63  }
0x30: {  	_ =	swait.ge [sflag:s15], $0x4000  }
0x31: {  	[sflag:s15] =	ssyncset.done $0x0  }
0x32: {  	s20 =	sadd.s32 $0x2800, s20;
	[sflag:s15] =	ssyncadd.s32 $0xFFFFC000  }
0x33: {  	[spmem:s1] =	stream.indirect.scatter.add.f32 [tilespmem:s14], [sflag:$0x2], $0x80, s20, s13, $0xb8;
	[tilespmem:$0x1C900] =	vst v63  }
0x34: {  	_ =	swait.ge [sflag:s11], $0x4000  }
0x35: {  	[sflag:s11] =	ssyncset.done $0x0  }
0x36: {  	[sflag:s11] =	ssyncadd.s32 $0xFFFFC000  }
0x37: {  	s20 =	simm.s32 @!p2 $0x2;
	[bflag:$0x0] =	sbarrier.arrive $0xFFFF  }
0x38: {  	[hbm:s5], [sflag:s16] =	dma.local @!p2 [spmem:s17], $0x27200  }
0x39: {  	_ =	swait.ge @!p2 [sflag:s20], $0x27200  }
0x3a: {  	s19 =	sadd.s32 $0x1, s19;
	[sflag:s20] =	ssyncset.done @!p2 $0x0  }
0x3b: {  	p3 =	sne.s32 s19, s9;
	[sflag:s20] =	ssyncadd.s32 @!p2 $0xFFFD8E00;
	s20 =	simm.s32 @p1 $0x1C02  }
0x3c: {  	[hbm:s6], [sflag:s20] =	dma.local @p1 [spmem:s18], $0x27200  }
.Ltmp1:
0x3d: {  	_ = 	snop;
	(pc) =	sbr.rel @p3 .LBB2_1-.Ltmp1, $4  }
0x3e: {  	s20 =	simm.s32 @p1 $0x2  }
0x3f: {  	_ =	swait.ge @p1 [sflag:s20], $0x27200  }
0x40: {  	[sflag:s20] =	ssyncset.done @p1 $0x0  }
0x41: {  	[sflag:s20] =	ssyncadd.s32 @p1 $0xFFFD8E00  }
0x42: {  	_ =	sfence.sel $0x180000  }
0x43: {  	[bflag:$0x0] =	sbarrier.arrive $0xFFFF  }
0x44: {  	_ =	strace $0x90000050  }
0x45: {  	s0 =	sadd.s32 @!p0 $0x100000, s0;
	[bflag:$0x2] =	sbarrier.arrive $0xFFFF  }
0x46: {  	[sflag:s0] =	ssyncadd.tile.s32 @!p0 $0x1;
	_ =	shalt  }
.Lfunc_end2:
_tile_overlayer_lowered:
.L_overlay_start_2:
0x47: {  	(tag) =	ssettag $0x2  }
0x48: {  	s0 =	rddreg [dreg:$0x0];
	s2 =	stileid.u32  }
0x49: {  	s1 =	rddreg [dreg:$0x1];
	p0 =	sne.s32 s2, $0x0  }
0x4a: {  	s3 =	rddreg [dreg:$0x2];
	[bflag:$0x3] =	sbarrier.arrive $0xFFFF;
	s2 =	simm.s32 @!p0 $0x1C02  }
0x4b: {  	[timem:s3], [sflag:s2] =	dma.local @!p0 [hbm:s0], s1  }
0x4c: {  	s0 =	simm.s32 @!p0 $0x2  }
0x4d: {  	_ =	swait.ge @!p0 [sflag:s0], s1  }
0x4e: {  	s1 =	ssub.s32 @!p0 $0x0, s1;
	[sflag:s0] =	ssyncset.done @!p0 $0x0  }
0x4f: {  	[sflag:s0] =	ssyncadd.s32 @!p0 s1  }
0x50: {  	[bflag:$0x3] =	sbarrier.arrive $0xFFFF  }
0x51: {  	_ =	shalt  }

// kernel: kernel.29.cloned.1.call-start
scs
__scs_entry_jumppad:
0x0: {  	(pc) =	sbr.rel $0x88, $3  }
0x1: {  	(tag) =	ssettag $0x0;
	lr =	simm.s32 $0x1  }
0x2: {  	[smem:$0x3F97] =	sst lr;
	_ =	strace $0xD0000000  }
0x3: {  	_ = 	snop  }
0x4: {  	_ = 	snop  }
0x5: {  	_ = 	snop  }
0x6: {  	_ = 	snop  }
0x7: {  	_ = 	snop  }
__scs_overlays_trampoline_lowered:
0x8: {  	[smem:$0x3FA6] =	sst s0  }
0x9: {  	[smem:$0x3FA7] =	sst s1  }
0xa: {  	[smem:$0x3FA8] =	sst s2  }
0xb: {  	[smem:$0x3FA9] =	sst s3  }
0xc: {  	[smem:$0x3FAA] =	sst s4  }
0xd: {  	[smem:$0x3FAB] =	sst s5  }
0xe: {  	[smem:$0x3FAC] =	sst s6  }
0xf: {  	[smem:$0x3FAD] =	sst s7  }
0x10: {  	[smem:$0x3FAE] =	sst s8  }
0x11: {  	[smem:$0x3FAF] =	sst s9;
	s0 =	simm.s32 @!p0 $0x0  }
0x12: {  	s1 =	sld [smem:$0x3F95];
	s0 =	simm.s32 @p0 $0x1  }
0x13: {  	[smem:$0x3FB0] =	sst s0;
	s0 =	simm.s32 @!p1 $0x0  }
0x14: {  	s2 =	sld [smem:$0x3F94];
	s0 =	simm.s32 @p1 $0x1  }
0x15: {  	[smem:$0x3FB1] =	sst s0;
	s0 =	simm.s32 @!p2 $0x0  }
0x16: {  	s3 =	sld [smem:$0x3FDB];
	s0 =	simm.s32 @p2 $0x1  }
0x17: {  	s4 =	simm.s32 $0x1BF5;
	[smem:$0x3FB3] =	sst s0  }
0x18: {  	s0 =	sld [smem:$0x3F96];
	_ =	swait.ge [sflag:s4], $0x0  }
0x19: {  	s7 =	sld [smem:$0x3F97]  }
0x1a: {  	s8 =	sadd.s32 $0xFFFFE003, lr  }
0x1b: {  	s9 =	sadd.s32 $0xFFFFFEF7, lr;
	s5 =	simm.s32 $0xFFFFFFFF;
	p2 =	slt.u32 s8, $0xFFFFF086  }
0x1c: {  	p1 =	slt.u32 s9, $0xF7A;
	s5 =	simm.s32 @!p2 $0x0  }
0x1d: {  	s5 =	simm.s32 @p1 $0x1;
	p0 =	seq.s32 s7, s2  }
0x1e: {  	s7 =	smul.u32 @!p0 $0xF7A, s2;
	p2 =	seq.s32 @!p0 s5, $0x0  }
0x1f: {  	s9 =	smul.u32 $0xF7A, s1;
	s8 =	simm.s32 @!p0 $0x1BF5;
	p2 =	por !p2, p0  }
0x20: {  	[sflag:s8] =	ssyncset.s32 @!p0 $0xFFFFF086;
	s6 =	sadd.s32 @!p0 s3, s7;
	s7 =	simm.s32 @!p0 $0x108  }
0x21: {  	s3 =	sadd.s32 s3, s9;
	s6 =	sadd.s32 @!p0 $0x88, s6;
	s7 =	simm.s32 @p2 $0x1082  }
0x22: {  	[simem:s7], [sflag:s8] =	dma.local @!p0 [hbm:s6], $0xF7A  }
0x23: {  	s9 =	sor.u32 $0xD0000000, s2;
	s6 =	simm.s32 $0x108;
	_ =	swait.ge @!p0 [sflag:s8], $0x0  }
0x24: {  	s3 =	sadd.s32 $0x88, s3;
	s6 =	simm.s32 @!p1 $0x1082;
	[sflag:s4] =	ssyncset.s32 $0xFFFFF086  }
0x25: {  	[simem:s6], [sflag:s4] =	dma.local [hbm:s3], $0xF7A  }
0x26: {  	[smem:$0x3F97] =	sst s1;
	(tag) =	ssettag s2;
	_ =	strace s9  }
0x27: {  	s1 =	sld [smem:$0x3FA7]  }
0x28: {  	s2 =	sld [smem:$0x3FA8]  }
0x29: {  	s4 =	sld [smem:$0x3FAA]  }
0x2a: {  	p0 =	seq.s32 s5, $0x0;
	s5 =	sld [smem:$0x3FAB]  }
0x2b: {  	s6 =	sld [smem:$0x3FAC]  }
0x2c: {  	s7 =	sld [smem:$0x3FAD]  }
0x2d: {  	s3 =	simm.s32 $0x108;
	s8 =	sld [smem:$0x3FAE]  }
0x2e: {  	s3 =	simm.s32 @!p0 $0x1082;
	s9 =	sld [smem:$0x3FAF]  }
0x2f: {  	lr =	sadd.s32 s0, s3;
	s0 =	sld [smem:$0x3FA6]  }
0x30: {  	s3 =	sld [smem:$0x3FA9]  }
0x31: {  	[smem:$0x3FB2] =	sst s10  }
0x32: {  	s10 =	sld [smem:$0x3FB0];
	_ =	sdelay $0x3  }
0x33: {  	p0 =	seq.s32 s10, $0x1;
	s10 =	sld [smem:$0x3FB2];
	_ =	sdelay $0x3  }
0x34: {  	[smem:$0x3FB2] =	sst s10  }
0x35: {  	s10 =	sld [smem:$0x3FB1];
	_ =	sdelay $0x3  }
0x36: {  	p1 =	seq.s32 s10, $0x1;
	s10 =	sld [smem:$0x3FB2];
	_ =	sdelay $0x3  }
0x37: {  	[smem:$0x3FB2] =	sst s10  }
0x38: {  	s10 =	sld [smem:$0x3FB3]  }
0x39: {  	_ = 	snop;
	(pc) =	sbr.ind lr, $3  }
0x3a: {  	_ = 	snop  }
0x3b: {  	_ = 	snop  }
0x3c: {  	p2 =	seq.s32 s10, $0x1;
	s10 =	sld [smem:$0x3FB2]  }
0x3d: {  	_ =	shalt  }
0x3e: {  	_ =	shalt  }
0x3f: {  	_ =	shalt  }
0x40: {  	_ =	shalt  }
0x41: {  	_ =	shalt  }
0x42: {  	_ =	shalt  }
0x43: {  	_ =	shalt  }
0x44: {  	_ =	shalt  }
0x45: {  	_ =	shalt  }
0x46: {  	_ =	shalt  }
0x47: {  	_ =	shalt  }
0x48: {  	_ =	shalt  }
0x49: {  	_ =	shalt  }
0x4a: {  	_ =	shalt  }
0x4b: {  	_ =	shalt  }
0x4c: {  	_ =	shalt  }
0x4d: {  	_ =	shalt  }
0x4e: {  	_ =	shalt  }
0x4f: {  	_ =	shalt  }
0x50: {  	_ =	shalt  }
0x51: {  	_ =	shalt  }
0x52: {  	_ =	shalt  }
0x53: {  	_ =	shalt  }
0x54: {  	_ =	shalt  }
0x55: {  	_ =	shalt  }
0x56: {  	_ =	shalt  }
0x57: {  	_ =	shalt  }
0x58: {  	_ =	shalt  }
0x59: {  	_ =	shalt  }
0x5a: {  	_ =	shalt  }
0x5b: {  	_ =	shalt  }
0x5c: {  	_ =	shalt  }
0x5d: {  	_ =	shalt  }
0x5e: {  	_ =	shalt  }
0x5f: {  	_ =	shalt  }
0x60: {  	_ =	shalt  }
0x61: {  	_ =	shalt  }
0x62: {  	_ =	shalt  }
0x63: {  	_ =	shalt  }
0x64: {  	_ =	shalt  }
0x65: {  	_ =	shalt  }
0x66: {  	_ =	shalt  }
0x67: {  	_ =	shalt  }
0x68: {  	_ =	shalt  }
0x69: {  	_ =	shalt  }
0x6a: {  	_ =	shalt  }
0x6b: {  	_ =	shalt  }
0x6c: {  	_ =	shalt  }
0x6d: {  	_ =	shalt  }
0x6e: {  	_ =	shalt  }
0x6f: {  	_ =	shalt  }
0x70: {  	_ =	shalt  }
0x71: {  	_ =	shalt  }
0x72: {  	_ =	shalt  }
0x73: {  	_ =	shalt  }
0x74: {  	_ =	shalt  }
0x75: {  	_ =	shalt  }
0x76: {  	_ =	shalt  }
0x77: {  	_ =	shalt  }
0x78: {  	_ =	shalt  }
0x79: {  	_ =	shalt  }
0x7a: {  	_ =	shalt  }
0x7b: {  	_ =	shalt  }
0x7c: {  	_ =	shalt  }
0x7d: {  	_ =	shalt  }
0x7e: {  	_ =	shalt  }
0x7f: {  	_ =	shalt  }
0x80: {  	_ =	shalt  }
0x81: {  	_ =	shalt  }
0x82: {  	_ =	shalt  }
0x83: {  	_ =	shalt  }
0x84: {  	_ =	shalt  }
0x85: {  	_ =	shalt  }
0x86: {  	_ =	shalt  }
0x87: {  	_ =	shalt  }
.Lfunc_end0:
.L_simem_size_0:
called_computation.4_lowered:
.L_overlay_start_0:
0x88: {  	s2 =	sld [smem:$0x3FD9]  }
0x89: {  	s3 =	sld [smem:$0x3FFE];
	_ =	sdelay $0x1  }
0x8a: {  	s1 =	srdreg.scid  }
0x8b: {  	s0 =	sand.u32 $0x1, s1  }
0x8c: {  	s16 =	sshll.u32 s0, $0xA;
	s2 =	sadd.s32 s3, s2  }
0x8d: {  	s2 =	sadd.s32 s2, s16  }
0x8e: {  	[smem:$0x3FBE] =	sst s2  }
0x8f: {  	_ = 	snop  }
0x90: {  	(tm) =	ssettm $0x1  }
0x91: {  	s17 =	sld [smem:$0x3FFB];
	_ =	sdelay $0x3  }
0x92: {  	_ =	strace s17  }
0x93: {  	s2 =	sld [smem:$0x3FFC];
	_ =	sdelay $0x3  }
0x94: {  	_ =	strace s2  }
0x95: {  	s2 =	sld [smem:$0x3FFD];
	_ =	sdelay $0x3  }
0x96: {  	_ =	strace s2  }
0x97: {  	_ =	strace $0x8FFFFFFF  }
0x98: {  	s18 =	sld [smem:$0x3FDB];
	_ =	sdelay $0x1  }
0x99: {  	s19 =	simm.s32 $_scs_section_size  }
0x9a: {  	s4 =	simm.s32 $_size__tile_overlayer_lowered;
	s5 =	simm.s32 $_tile_overlayer_lowered  }
0x9b: {  	s22 =	simm.s32 $0x1BFF;
	s21 =	sshll.u32 s5, $0x1;
	s2 =	sadd.s32 s19, s18  }
0x9c: {  	s6 =	simm.s32 $0x0;
	s20 =	sshll.u32 s4, $0x1;
	s4 =	sadd.s32 s21, s2  }
0x9d: {  	[timem:s6], [sflag:s22] =	dma.local [hbm:s4], s20  }
0x9e: {  	_ =	swait.ge [sflag:s22], s20  }
0x9f: {  	s3 =	ssub.s32 $0x0, s20;
	[sflag:s22] =	ssyncset.done $0x0  }
0xa0: {  	[sflag:s22] =	ssyncadd.s32 s3;
	_ =	sdelay $0x1  }
0xa1: {  	s23 =	simm.s32 $0x1B8B  }
0xa2: {  	_ =	swait.ge [sflag:s23], $0x1  }
0xa3: {  	[sflag:s23] =	ssyncset.done $0x0  }
0xa4: {  	s25 =	simm.s32 $0x1B8E;
	s24 =	sld [smem:$0x3FFE];
	[sflag:s23] =	ssyncadd.s32 $0xFFFFFFFF  }
0xa5: {  	s26 =	simm.s32 $execute0_lowered;
	[smem:$0x3FD2] =	sst s25  }
0xa6: {  	s4 =	sshll.u32 s26, $0x1;
	_ =	strace $0x80000052;
	[dreg:$0x1] =	wrdreg $0xFFFFFFFF  }
0xa7: {  	s28 =	simm.s32 $_size_execute0_lowered;
	s2 =	sadd.s32 s2, s4;
	[dreg:$0x0] =	wrdreg $0x0  }
0xa8: {  	s4 =	sshll.u32 s28, $0x1;
	[dreg:$0x2] =	wrdreg s2  }
0xa9: {  	[dreg:$0x3] =	wrdreg s4  }
0xaa: {  	[dreg:$0x4] =	wrdreg $0xC0  }
0xab: {  	_ =	task [dreg:s6], $0x5FFFF  }
0xac: {  	[dreg:$0x1] =	wrdreg $0xFFFFFFFF  }
0xad: {  	[dreg:$0x0] =	wrdreg $0x60  }
0xae: {  	[dreg:$0x2] =	wrdreg s24  }
0xaf: {  	[dreg:$0x3] =	wrdreg $0x90000  }
0xb0: {  	[dreg:$0x4] =	wrdreg $0x9  }
0xb1: {  	_ =	task.clear_ibuf [dreg:s6], $0x5FFFF;
	_ =	strace $0x90000052  }
0xb2: {  	s29 =	simm.s32 $0x9;
	_ =	strace $0x80000054  }
0xb3: {  	_ =	swait.ge [sflag:s29], $0x1  }
0xb4: {  	[sflag:s29] =	ssyncadd.s32 $0xFFFFFFFF  }
0xb5: {  	_ =	strace $0x90000054  }
0xb6: {  	_ =	sfence  }
0xb7: {  	s30 =	sld [smem:$0x0];
	_ =	sdelay $0x2  }
0xb8: {  	s31 =	sshll.u32 s1, $0xD;
	s1 =	sshrl.u32 s1, $0x2  }
0xb9: {  	s3 =	sand.u32 $0x4000, s31;
	s1 =	sadd.s32 s1, s30  }
0xba: {  	s0 =	sor.u32 s3, s0;
	s1 =	sshll.u32 s1, $0x11  }
0xbb: {  	s0 =	sor.u32 s1, s0  }
0xbc: {  	s0 =	sadd.s32 $0x8F2B, s0  }
0xbd: {  	[sflag:s0] =	ssyncadd.remote.s32 $0x1  }
0xbe: {  	_ =	sfence.sel $0xFFFF  }
0xbf: {  	[dreg:$0x0] =	wrdreg $0xFFFFFFFF;
	(pc) =	sbr.abs _section_cstart, $3  }
0xc0: {  	[dreg:$0x1] =	wrdreg $0xFFFFFFFF  }
0xc1: {  	_ =	task.clear_ibuf [dreg:s6], $0x2FFFF;
	_ =	strace $0x9FFFFFFF  }
0xc2: {  	(tm) =	ssettm $0x7FFFFFFF  }
0xc3: {  	_ =	shalt  }
tec
execute0_lowered:
.L_overlay_start_1:
0x0: {  	(tag) =	ssettag $0x1  }
0x1: {  	s0 =	srdreg.scid;
	s6 =	rddreg [dreg:$0x0]  }
0x2: {  	s1 =	rddreg [dreg:$0x1];
	s14 =	stileid.u32;
	s2 =	simm.s32 $0x0  }
0x3: {  	s11 =	simm.s32 $0x2;
	s13 =	simm.s32 $0x80;
	s15 =	simm.s32 $0x1  }
0x4: {  	s19 =	simm.s32 $0x0;
	s9 =	sand.u32 $0x1, s0;
	s0 =	rddreg [dreg:$0x2]  }
0x5: {  	[smem:$0x7FF] =	sst s2;
	s5 =	sadd.s32 $0x69E00, s6;
	p0 =	seq.s32 s14, $0x0  }
0x6: {  	s3 =	sshll.u32 s9, $0x4;
	_ =	strace $0x80000053;
	s7 =	ssub.s32 $0x2, s9  }
0x7: {  	p1 =	seq.s32 s9, $0x1;
	s12 =	sor.u32 s9, s14;
	s3 =	sor.u32 s14, s3  }
0x8: {  	s10 =	sshrl.u32 s7, $0x1;
	p0 =	por !p0, !p1;
	p2 =	sne.s32 s12, $0x0  }
0x9: {  	s12 =	simm.s32 $0x2800;
	s4 =	smul.u32 $0x500, s3;
	s3 =	sadd.s32 $0x1BA00, s6  }
0xa: {  	s10 =	ssub.s32 s7, s10;
	p1 =	por !p0, !p0;
	p0 =	sne.s32 s14, $0x0  }
0xb: {  	s16 =	sshll.u32 @!p2 s14, $0x6;
	s14 =	simm.s32 $0x5000;
	s17 =	sshrl.u32 @!p2 s1, $0x3  }
0xc: {  	s9 =	smax.u32 s10, $0x1;
	s10 =	sshrl.u32 @!p0 s1, $0x3;
	s16 =	sor.u32 @!p2 $0x1C02, s16  }
0xd: {  	s18 =	sshrl.u32 @p1 s1, $0x3;
	s8 =	sadd.s32 s4, s6;
	s4 =	sadd.s32 $0x42C00, s6  }
0xe: {  	s6 =	sadd.s32 $0x91000, s6;
	s7 =	sadd.s32 $0x11A00, s8;
	s8 =	sadd.s32 $0x7A00, s8  }
.LBB2_1:
0xf: {  	s20 =	simm.s32 @!p0 $0x1C02  }
0x10: {  	[spmem:s10], [sflag:s20] =	dma.local @!p0 [hbm:s4], $0x27200  }
0x11: {  	s20 =	simm.s32 @!p0 $0x2  }
0x12: {  	_ =	swait.ge @!p0 [sflag:s20], $0x27200  }
0x13: {  	[sflag:s20] =	ssyncset.done @!p0 $0x0  }
0x14: {  	[sflag:s20] =	ssyncadd.s32 @!p0 $0xFFFD8E00  }
0x15: {  	[bflag:$0x0] =	sbarrier.arrive $0xFFFF  }
0x16: {  	[tilespmem:s2], [sflag:$0x2] =	stream.linear.gather [hbm4b:s7+s2], $0x2780, $0x38;
	[tilespmem:$0x1C900] =	vst v63  }
0x17: {  	_ =	swait.ge [sflag:s11], $0x2780  }
0x18: {  	[sflag:s11] =	ssyncset.done $0x0  }
0x19: {  	[sflag:s11] =	ssyncadd.s32 $0xFFFFD880  }
0x1a: {  	[tilespmem:s12], [sflag:$0x2] =	stream.linear.gather [hbm4b:s8+s2], $0x2780, $0x38;
	[tilespmem:$0x1C900] =	vst v63  }
0x1b: {  	_ =	swait.ge [sflag:s11], $0x2780  }
0x1c: {  	[sflag:s11] =	ssyncset.done $0x0  }
0x1d: {  	s30 =	simm.s32 $0x0;
	[sflag:s11] =	ssyncadd.s32 $0xFFFFD880  }
0x1e: {  	[tilespmem:s14], [sflag:$0x1] =	stream.indirect.gather [hbm4b:s3+s13], $0x80, s30, s13, $0xb8;
	[tilespmem:$0x1C900] =	vst v63  }
0x1f: {  	_ =	swait.ge [sflag:s15], $0x4000  }
0x20: {  	[sflag:s15] =	ssyncset.done $0x0  }
0x21: {  	s31 =	simm.s32 $0x2800;
	[sflag:s15] =	ssyncadd.s32 $0xFFFFC000  }
0x22: {  	[spmem:s1] =	stream.indirect.scatter.add.f32 [tilespmem:s14], [sflag:$0x2], $0x80, s31, s13, $0xb8;
	[tilespmem:$0x1C900] =	vst v63  }
0x23: {  	_ =	swait.ge [sflag:s11], $0x4000  }
0x24: {  	s21 =	simm.s32 $0x400;
	s20 =	simm.s32 $0x200;
	[sflag:s11] =	ssyncset.done $0x0  }
.LBB2_2:
0x25: {  	s22 =	sshra.s32 s20, $0x2  }
0x26: {  	[sflag:s11] =	ssyncadd.s32 $0xFFFFC000;
	s20 =	smov.u32 s21;
	s23 =	sadd.s32 $0x200, s21  }
0x27: {  	[tilespmem:s14], [sflag:$0x1] =	stream.indirect.gather [hbm4b:s3+s13], $0x80, s22, s13, $0xb8;
	[tilespmem:$0x1C900] =	vst v63  }
0x28: {  	p3 =	sne.s32 s21, $0x9C00;
	_ =	swait.ge [sflag:s15], $0x4000  }
.Ltmp0:
0x29: {  	[sflag:s15] =	ssyncset.done $0x0;
	(pc) =	sbr.rel @p3 .LBB2_2-.Ltmp0, $4  }
0x2a: {  	s21 =	sadd.s32 $0x2800, s22;
	[sflag:s15] =	ssyncadd.s32 $0xFFFFC000  }
0x2b: {  	[spmem:s1] =	stream.indirect.scatter.add.f32 [tilespmem:s14], [sflag:$0x2], $0x80, s21, s13, $0xb8;
	[tilespmem:$0x1C900] =	vst v63  }
0x2c: {  	_ =	swait.ge [sflag:s11], $0x4000  }
0x2d: {  	s21 =	smov.u32 s23;
	[sflag:s11] =	ssyncset.done $0x0  }
0x2e: {  	s20 =	sshra.s32 s20, $0x2;
	[sflag:s11] =	ssyncadd.s32 $0xFFFFC000  }
0x2f: {  	[tilespmem:s14], [sflag:$0x1] =	stream.indirect.gather [hbm4b:s3+s13], $0x80, s20, s13, $0xb8;
	[tilespmem:$0x1C900] =	vst v63  }
0x30: {  	_ =	swait.ge [sflag:s15], $0x4000  }
0x31: {  	[sflag:s15] =	ssyncset.done $0x0  }
0x32: {  	s20 =	sadd.s32 $0x2800, s20;
	[sflag:s15] =	ssyncadd.s32 $0xFFFFC000  }
0x33: {  	[spmem:s1] =	stream.indirect.scatter.add.f32 [tilespmem:s14], [sflag:$0x2], $0x80, s20, s13, $0xb8;
	[tilespmem:$0x1C900] =	vst v63  }
0x34: {  	_ =	swait.ge [sflag:s11], $0x4000  }
0x35: {  	[sflag:s11] =	ssyncset.done $0x0  }
0x36: {  	[sflag:s11] =	ssyncadd.s32 $0xFFFFC000  }
0x37: {  	s20 =	simm.s32 @!p2 $0x2;
	[bflag:$0x0] =	sbarrier.arrive $0xFFFF  }
0x38: {  	[hbm:s5], [sflag:s16] =	dma.local @!p2 [spmem:s17], $0x27200  }
0x39: {  	_ =	swait.ge @!p2 [sflag:s20], $0x27200  }
0x3a: {  	s19 =	sadd.s32 $0x1, s19;
	[sflag:s20] =	ssyncset.done @!p2 $0x0  }
0x3b: {  	p3 =	sne.s32 s19, s9;
	[sflag:s20] =	ssyncadd.s32 @!p2 $0xFFFD8E00;
	s20 =	simm.s32 @p1 $0x1C02  }
0x3c: {  	[hbm:s6], [sflag:s20] =	dma.local @p1 [spmem:s18], $0x27200  }
.Ltmp1:
0x3d: {  	_ = 	snop;
	(pc) =	sbr.rel @p3 .LBB2_1-.Ltmp1, $4  }
0x3e: {  	s20 =	simm.s32 @p1 $0x2  }
0x3f: {  	_ =	swait.ge @p1 [sflag:s20], $0x27200  }
0x40: {  	[sflag:s20] =	ssyncset.done @p1 $0x0  }
0x41: {  	[sflag:s20] =	ssyncadd.s32 @p1 $0xFFFD8E00  }
0x42: {  	_ =	sfence.sel $0x180000  }
0x43: {  	[bflag:$0x0] =	sbarrier.arrive $0xFFFF  }
0x44: {  	_ =	strace $0x90000053  }
0x45: {  	s0 =	sadd.s32 @!p0 $0x100000, s0;
	[bflag:$0x2] =	sbarrier.arrive $0xFFFF  }
0x46: {  	[sflag:s0] =	ssyncadd.tile.s32 @!p0 $0x1;
	_ =	shalt  }
.Lfunc_end2:
_tile_overlayer_lowered:
.L_overlay_start_2:
0x47: {  	(tag) =	ssettag $0x2  }
0x48: {  	s0 =	rddreg [dreg:$0x0];
	s2 =	stileid.u32  }
0x49: {  	s1 =	rddreg [dreg:$0x1];
	p0 =	sne.s32 s2, $0x0  }
0x4a: {  	s3 =	rddreg [dreg:$0x2];
	[bflag:$0x3] =	sbarrier.arrive $0xFFFF;
	s2 =	simm.s32 @!p0 $0x1C02  }
0x4b: {  	[timem:s3], [sflag:s2] =	dma.local @!p0 [hbm:s0], s1  }
0x4c: {  	s0 =	simm.s32 @!p0 $0x2  }
0x4d: {  	_ =	swait.ge @!p0 [sflag:s0], s1  }
0x4e: {  	s1 =	ssub.s32 @!p0 $0x0, s1;
	[sflag:s0] =	ssyncset.done @!p0 $0x0  }
0x4f: {  	[sflag:s0] =	ssyncadd.s32 @!p0 s1  }
0x50: {  	[bflag:$0x3] =	sbarrier.arrive $0xFFFF  }
0x51: {  	_ =	shalt  }

</sc_bundles>
